<compile_context>
chip_gen: v7x
topology: tpu7x:2x2x1
jax: 0.10.2.dev20260603
libtpu: 0.0.44.dev20260713+nightly
codegen_flags: <defaults>
</compile_context>

<pallas_src>
import functools

import jax
import jax.numpy as jnp
from jax import lax
from jax.experimental import pallas as pl
from jax.experimental.pallas import tpu as pltpu
from jax.experimental.pallas import tpu_sc as plsc

B = 16384
D = 64
G = 8
NUM_GENRES = 32

NC = 2
NS = 16
NW = NC * NS
BPW = B // NW
CHUNK = 128
KCH = BPW // CHUNK

BLK = 1024


def _sc_gather(table2, pidx3, idxf):
    mesh = plsc.VectorSubcoreMesh(
        core_axis_name="c", subcore_axis_name="s",
        num_cores=NC, num_subcores=NS)

    @functools.partial(
        pl.kernel,
        out_type=jax.ShapeDtypeStruct((B, D), jnp.float32),
        mesh=mesh,
        scratch_types=[
            pltpu.VMEM((KCH, CHUNK), jnp.int32),
            pltpu.VMEM((BPW,), jnp.int32),
            pltpu.VMEM((BPW, 2 * D), jnp.float32),
            pltpu.VMEM((BPW, D), jnp.float32),
            pltpu.SemaphoreType.DMA,
        ],
        compiler_params=pltpu.CompilerParams(
            use_tc_tiling_on_sc=False, needs_layout_passes=False),
    )
    def k(table_hbm, pidx_hbm, idxf_hbm, out_hbm,
          pidx_v, idxf_v, rows_v, stage_v, sem):
        wid = lax.axis_index("s") * NC + lax.axis_index("c")
        pltpu.sync_copy(pidx_hbm.at[wid], pidx_v)
        pltpu.sync_copy(idxf_hbm.at[wid], idxf_v)
        cps = []
        for j in range(KCH):
            cps.append(pltpu.async_copy(
                table_hbm.at[pidx_v.at[j]],
                rows_v.at[pl.ds(j * CHUNK, CHUNK)],
                sem))
        for cp in cps:
            cp.wait()

        lanes = lax.iota(jnp.int32, 16)

        def select16(kk, _):
            row16 = kk * 16 + lanes
            par = idxf_v[pl.ds(kk * 16, 16)] & 1
            col_base = par * D
            for d in range(D):
                x = plsc.load_gather(rows_v, [row16, col_base + d])
                plsc.store_scatter(stage_v, [row16, lanes * 0 + d], x)
            return 0

        lax.fori_loop(0, BPW // 16, select16, 0)

        pltpu.sync_copy(stage_v, out_hbm.at[pl.ds(wid * BPW, BPW)])

    return k(table2, pidx3, idxf)


def _tc_body(title_ref, genres_ref, gt_ref, w_ref, b_ref, out_ref):
    g = genres_ref[...]
    cls = lax.broadcasted_iota(jnp.int32, (1, NUM_GENRES), 1)
    counts = jnp.zeros((BLK, NUM_GENRES), jnp.float32)
    for j in range(G):
        counts += (g[:, j:j + 1] == cls).astype(jnp.float32)
    genre_emb = jnp.dot(counts, gt_ref[...],
                        preferred_element_type=jnp.float32)
    comb = jnp.concatenate([title_ref[...], genre_emb], axis=1)
    out = jnp.dot(comb, w_ref[...],
                  preferred_element_type=jnp.float32) + b_ref[...]
    out_ref[...] = jnp.maximum(out, 0.0)


def _tc_combine(title_g, movie_genres, genre_table, W, b2):
    return pl.pallas_call(
        _tc_body,
        out_shape=jax.ShapeDtypeStruct((B, D), jnp.float32),
        grid=(B // BLK,),
        in_specs=[
            pl.BlockSpec((BLK, D), lambda i: (i, 0)),
            pl.BlockSpec((BLK, G), lambda i: (i, 0)),
            pl.BlockSpec((NUM_GENRES, D), lambda i: (0, 0)),
            pl.BlockSpec((2 * D, D), lambda i: (0, 0)),
            pl.BlockSpec((1, D), lambda i: (0, 0)),
        ],
        out_specs=pl.BlockSpec((BLK, D), lambda i: (i, 0)),
    )(title_g, movie_genres, genre_table, W, b2)


def kernel(movie_title, movie_genres, title_table, genre_table, W, b):
    table2 = title_table.reshape(500000, 2 * D)
    pidx3 = (movie_title >> 1).reshape(NW, KCH, CHUNK)
    idxf = movie_title.reshape(NW, BPW)
    title_g = _sc_gather(table2, pidx3, idxf)
    return _tc_combine(title_g, movie_genres, genre_table, W,
                       b.reshape(1, D))

# --- scband reference (transcript-rebuilt; emitter-appended) ---
"""Pipeline reference for scband-movie-candidate-model-51101520887943 (READ-ONLY COPY).

The authoritative reference and input builder live on the scoring server;
editing this copy changes nothing except your own understanding.
"""

import jax, jax.numpy as jnp
import numpy as np

B = 16384
NUM_TITLES = 1000000
NUM_GENRES = 32
G = 8
D = 64

def setup_inputs(seed: int = 0) -> dict:
    key = jax.random.key(seed)
    k1, k2, k3, k4, k5 = jax.random.split(key, 5)
    movie_title = jax.random.randint(k1, (B,), 0, NUM_TITLES, dtype=jnp.int64 if jax.config.read('jax_enable_x64') else jnp.int32).astype(jnp.int32)
    movie_genres = jax.random.randint(k2, (B, G), 0, NUM_GENRES).astype(jnp.int32)
    title_table = jax.random.normal(k3, (NUM_TITLES, D), dtype=jnp.float32) * 0.05
    genre_table = jax.random.normal(k4, (NUM_GENRES, D), dtype=jnp.float32) * 0.05
    W = jax.random.normal(k5, (2 * D, D), dtype=jnp.float32) * (1.0 / np.sqrt(2 * D))
    b = jnp.zeros((D,), dtype=jnp.float32)
    return {"movie_title": movie_title, "movie_genres": movie_genres,
            "title_table": title_table, "genre_table": genre_table, "W": W, "b": b}

def reference(movie_title, movie_genres, title_table, genre_table, W, b):
    # title embedding lookup: [B, D]
    title_embedding = jnp.take(title_table, movie_title, axis=0)
    # genre embedding lookup: [B, G, D]
    genres_embedding = jnp.take(genre_table, movie_genres, axis=0)
    # aggregate genres by sum over the genre axis: [B, D]
    genres_embedding_aggregated = jnp.sum(genres_embedding, axis=1)
    # concat: [B, 2D]
    combined_embedding = jnp.concatenate([title_embedding, genres_embedding_aggregated], axis=1)
    # Dense(D, relu)
    out = jax.nn.relu(combined_embedding @ W + b)
    return out

if __name__ == "__main__":
    import jax
    _d = setup_inputs()
    print(jax.jit(kernel)(*tuple(_d.values())))

</pallas_src>

<mosaic_0001>
#map = affine_map<(d0, d1) -> (0, 0)>
#map1 = affine_map<(d0, d1) -> (0, 0, 0)>
module attributes {stable_mosaic.version = 14 : i64} {
  func.func @k(%arg0: i32, %arg1: i32, %arg2: memref<500000x128xf32, #tpu.memory_space<hbm>>, %arg3: memref<32x4x128xi32, #tpu.memory_space<hbm>>, %arg4: memref<32x512xi32, #tpu.memory_space<hbm>>, %arg5: memref<16384x64xf32, #tpu.memory_space<hbm>>, %arg6: memref<4x128xi32, #tpu.memory_space<vmem>>, %arg7: memref<512xi32, #tpu.memory_space<vmem>>, %arg8: memref<512x128xf32, #tpu.memory_space<vmem>>, %arg9: memref<512x64xf32, #tpu.memory_space<vmem>>, %arg10: memref<!tpu.dma_semaphore, #tpu.memory_space<semaphore_mem>>) attributes {dimension_semantics = [#tpu.dimension_semantics<core_parallel>, #tpu.dimension_semantics<subcore_parallel>], iteration_bounds = array<i64: 2, 16>, scalar_prefetch = 0 : i64, scratch_operands = 5 : i64, tpu.core_type = #tpu.core_type<sc_vector_subcore>, window_params = [{transform_indices = #map}, {transform_indices = #map1}, {transform_indices = #map}, {transform_indices = #map}]} {
    %mul3A = arith.constant 2 : i32
    %mul3A_0 = arith.muli %arg1, %mul3A : i32
    %add3A = arith.addi %mul3A_0, %arg0 : i32
    "tpu.region"() ({
      %run_scoped3A = tpu.sem_alloc : memref<!tpu.dma_semaphore, #tpu.memory_space<semaphore_mem>>
      %dma_start3A_87 = arith.constant 0 : i32
      %dma_start3A_88 = arith.constant 0 : i32
      %dma_start3A_89 = tpu.memref_slice %arg3[%add3A, %dma_start3A_87, %dma_start3A_88] : memref<32x4x128xi32, #tpu.memory_space<hbm>> -> memref<1x4x128xi32, #tpu.memory_space<hbm>>
      %dma_start3A_90 = tpu.memref_squeeze %dma_start3A_89 : memref<1x4x128xi32, #tpu.memory_space<hbm>> -> memref<4x128xi32, #tpu.memory_space<hbm>>
      %dma_start3A_91 = arith.constant 0 : i32
      %dma_start3A_92 = arith.constant 0 : i32
      %dma_start3A_93 = tpu.memref_slice %arg3[%add3A, %dma_start3A_91, %dma_start3A_92] : memref<32x4x128xi32, #tpu.memory_space<hbm>> -> memref<1x4x128xi32, #tpu.memory_space<hbm>>
      %dma_start3A_94 = tpu.memref_squeeze %dma_start3A_93 : memref<1x4x128xi32, #tpu.memory_space<hbm>> -> memref<4x128xi32, #tpu.memory_space<hbm>>
      tpu.enqueue_dma source(%dma_start3A_94 : memref<4x128xi32, #tpu.memory_space<hbm>>) target(%arg6 : memref<4x128xi32, #tpu.memory_space<vmem>>) target_semaphore(%run_scoped3A : memref<!tpu.dma_semaphore, #tpu.memory_space<semaphore_mem>>)
      %dma_wait3A_95 = arith.constant 0 : i32
      %dma_wait3A_96 = arith.constant 0 : i32
      %dma_wait3A_97 = tpu.memref_slice %arg3[%add3A, %dma_wait3A_95, %dma_wait3A_96] : memref<32x4x128xi32, #tpu.memory_space<hbm>> -> memref<1x4x128xi32, #tpu.memory_space<hbm>>
      %dma_wait3A_98 = tpu.memref_squeeze %dma_wait3A_97 : memref<1x4x128xi32, #tpu.memory_space<hbm>> -> memref<4x128xi32, #tpu.memory_space<hbm>>
      %dma_wait3A_99 = arith.constant 0 : i32
      %dma_wait3A_100 = arith.constant 0 : i32
      %dma_wait3A_101 = tpu.memref_slice %arg3[%add3A, %dma_wait3A_99, %dma_wait3A_100] : memref<32x4x128xi32, #tpu.memory_space<hbm>> -> memref<1x4x128xi32, #tpu.memory_space<hbm>>
      %dma_wait3A_102 = tpu.memref_squeeze %dma_wait3A_101 : memref<1x4x128xi32, #tpu.memory_space<hbm>> -> memref<4x128xi32, #tpu.memory_space<hbm>>
      tpu.wait_dma2 semaphore(%run_scoped3A : memref<!tpu.dma_semaphore, #tpu.memory_space<semaphore_mem>>) src(%dma_wait3A_102 : memref<4x128xi32, #tpu.memory_space<hbm>>) dst(%arg6 : memref<4x128xi32, #tpu.memory_space<vmem>>)
      tpu.yield
    }) : () -> ()
    "tpu.region"() ({
      %run_scoped3A = tpu.sem_alloc : memref<!tpu.dma_semaphore, #tpu.memory_space<semaphore_mem>>
      %dma_start3A_87 = arith.constant 0 : i32
      %dma_start3A_88 = tpu.memref_slice %arg4[%add3A, %dma_start3A_87] : memref<32x512xi32, #tpu.memory_space<hbm>> -> memref<1x512xi32, #tpu.memory_space<hbm>>
      %dma_start3A_89 = tpu.memref_squeeze %dma_start3A_88 : memref<1x512xi32, #tpu.memory_space<hbm>> -> memref<512xi32, #tpu.memory_space<hbm>>
      %dma_start3A_90 = arith.constant 0 : i32
      %dma_start3A_91 = tpu.memref_slice %arg4[%add3A, %dma_start3A_90] : memref<32x512xi32, #tpu.memory_space<hbm>> -> memref<1x512xi32, #tpu.memory_space<hbm>>
      %dma_start3A_92 = tpu.memref_squeeze %dma_start3A_91 : memref<1x512xi32, #tpu.memory_space<hbm>> -> memref<512xi32, #tpu.memory_space<hbm>>
      tpu.enqueue_dma source(%dma_start3A_92 : memref<512xi32, #tpu.memory_space<hbm>>) target(%arg7 : memref<512xi32, #tpu.memory_space<vmem>>) target_semaphore(%run_scoped3A : memref<!tpu.dma_semaphore, #tpu.memory_space<semaphore_mem>>)
      %dma_wait3A_93 = arith.constant 0 : i32
      %dma_wait3A_94 = tpu.memref_slice %arg4[%add3A, %dma_wait3A_93] : memref<32x512xi32, #tpu.memory_space<hbm>> -> memref<1x512xi32, #tpu.memory_space<hbm>>
      %dma_wait3A_95 = tpu.memref_squeeze %dma_wait3A_94 : memref<1x512xi32, #tpu.memory_space<hbm>> -> memref<512xi32, #tpu.memory_space<hbm>>
      %dma_wait3A_96 = arith.constant 0 : i32
      %dma_wait3A_97 = tpu.memref_slice %arg4[%add3A, %dma_wait3A_96] : memref<32x512xi32, #tpu.memory_space<hbm>> -> memref<1x512xi32, #tpu.memory_space<hbm>>
      %dma_wait3A_98 = tpu.memref_squeeze %dma_wait3A_97 : memref<1x512xi32, #tpu.memory_space<hbm>> -> memref<512xi32, #tpu.memory_space<hbm>>
      tpu.wait_dma2 semaphore(%run_scoped3A : memref<!tpu.dma_semaphore, #tpu.memory_space<semaphore_mem>>) src(%dma_wait3A_98 : memref<512xi32, #tpu.memory_space<hbm>>) dst(%arg7 : memref<512xi32, #tpu.memory_space<vmem>>)
      tpu.yield
    }) : () -> ()
    %dma_start3A = arith.constant 0 : i32
    %dma_start3A_1 = arith.constant 0 : i32
    %dma_start3A_2 = arith.constant 0 : i32
    %dma_start3A_3 = tpu.memref_slice %arg8[%dma_start3A_1, %dma_start3A_2] : memref<512x128xf32, #tpu.memory_space<vmem>> -> memref<128x128xf32, #tpu.memory_space<vmem>>
    %dma_start3A_4 = arith.constant 0 : i32
    %dma_start3A_5 = tpu.memref_slice %arg6[%dma_start3A, %dma_start3A_4] : memref<4x128xi32, #tpu.memory_space<vmem>> -> memref<1x128xi32, #tpu.memory_space<vmem>>
    %dma_start3A_6 = tpu.memref_squeeze %dma_start3A_5 : memref<1x128xi32, #tpu.memory_space<vmem>> -> memref<128xi32, #tpu.memory_space<vmem>>
    %dma_start3A_7 = arith.constant 0 : i32
    %dma_start3A_8 = arith.constant 0 : i32
    %dma_start3A_9 = tpu.memref_slice %arg2[%dma_start3A_7, %dma_start3A_8] : memref<500000x128xf32, #tpu.memory_space<hbm>> -> memref<500000x128xf32, #tpu.memory_space<hbm>>
    tpu.enqueue_indirect_dma source(%dma_start3A_9 : memref<500000x128xf32, #tpu.memory_space<hbm>>) target(%dma_start3A_3 : memref<128x128xf32, #tpu.memory_space<vmem>>) offsets(%dma_start3A_6 : memref<128xi32, #tpu.memory_space<vmem>>) semaphore(%arg10 : memref<!tpu.dma_semaphore, #tpu.memory_space<semaphore_mem>>)
    %dma_start3A_10 = arith.constant 1 : i32
    %dma_start3A_11 = arith.constant 128 : i32
    %dma_start3A_12 = arith.constant 0 : i32
    %dma_start3A_13 = tpu.memref_slice %arg8[%dma_start3A_11, %dma_start3A_12] : memref<512x128xf32, #tpu.memory_space<vmem>> -> memref<128x128xf32, #tpu.memory_space<vmem>>
    %dma_start3A_14 = arith.constant 0 : i32
    %dma_start3A_15 = tpu.memref_slice %arg6[%dma_start3A_10, %dma_start3A_14] : memref<4x128xi32, #tpu.memory_space<vmem>> -> memref<1x128xi32, #tpu.memory_space<vmem>>
    %dma_start3A_16 = tpu.memref_squeeze %dma_start3A_15 : memref<1x128xi32, #tpu.memory_space<vmem>> -> memref<128xi32, #tpu.memory_space<vmem>>
    %dma_start3A_17 = arith.constant 0 : i32
    %dma_start3A_18 = arith.constant 0 : i32
    %dma_start3A_19 = tpu.memref_slice %arg2[%dma_start3A_17, %dma_start3A_18] : memref<500000x128xf32, #tpu.memory_space<hbm>> -> memref<500000x128xf32, #tpu.memory_space<hbm>>
    tpu.enqueue_indirect_dma source(%dma_start3A_19 : memref<500000x128xf32, #tpu.memory_space<hbm>>) target(%dma_start3A_13 : memref<128x128xf32, #tpu.memory_space<vmem>>) offsets(%dma_start3A_16 : memref<128xi32, #tpu.memory_space<vmem>>) semaphore(%arg10 : memref<!tpu.dma_semaphore, #tpu.memory_space<semaphore_mem>>)
    %dma_start3A_20 = arith.constant 2 : i32
    %dma_start3A_21 = arith.constant 256 : i32
    %dma_start3A_22 = arith.constant 0 : i32
    %dma_start3A_23 = tpu.memref_slice %arg8[%dma_start3A_21, %dma_start3A_22] : memref<512x128xf32, #tpu.memory_space<vmem>> -> memref<128x128xf32, #tpu.memory_space<vmem>>
    %dma_start3A_24 = arith.constant 0 : i32
    %dma_start3A_25 = tpu.memref_slice %arg6[%dma_start3A_20, %dma_start3A_24] : memref<4x128xi32, #tpu.memory_space<vmem>> -> memref<1x128xi32, #tpu.memory_space<vmem>>
    %dma_start3A_26 = tpu.memref_squeeze %dma_start3A_25 : memref<1x128xi32, #tpu.memory_space<vmem>> -> memref<128xi32, #tpu.memory_space<vmem>>
    %dma_start3A_27 = arith.constant 0 : i32
    %dma_start3A_28 = arith.constant 0 : i32
    %dma_start3A_29 = tpu.memref_slice %arg2[%dma_start3A_27, %dma_start3A_28] : memref<500000x128xf32, #tpu.memory_space<hbm>> -> memref<500000x128xf32, #tpu.memory_space<hbm>>
    tpu.enqueue_indirect_dma source(%dma_start3A_29 : memref<500000x128xf32, #tpu.memory_space<hbm>>) target(%dma_start3A_23 : memref<128x128xf32, #tpu.memory_space<vmem>>) offsets(%dma_start3A_26 : memref<128xi32, #tpu.memory_space<vmem>>) semaphore(%arg10 : memref<!tpu.dma_semaphore, #tpu.memory_space<semaphore_mem>>)
    %dma_start3A_30 = arith.constant 3 : i32
    %dma_start3A_31 = arith.constant 384 : i32
    %dma_start3A_32 = arith.constant 0 : i32
    %dma_start3A_33 = tpu.memref_slice %arg8[%dma_start3A_31, %dma_start3A_32] : memref<512x128xf32, #tpu.memory_space<vmem>> -> memref<128x128xf32, #tpu.memory_space<vmem>>
    %dma_start3A_34 = arith.constant 0 : i32
    %dma_start3A_35 = tpu.memref_slice %arg6[%dma_start3A_30, %dma_start3A_34] : memref<4x128xi32, #tpu.memory_space<vmem>> -> memref<1x128xi32, #tpu.memory_space<vmem>>
    %dma_start3A_36 = tpu.memref_squeeze %dma_start3A_35 : memref<1x128xi32, #tpu.memory_space<vmem>> -> memref<128xi32, #tpu.memory_space<vmem>>
    %dma_start3A_37 = arith.constant 0 : i32
    %dma_start3A_38 = arith.constant 0 : i32
    %dma_start3A_39 = tpu.memref_slice %arg2[%dma_start3A_37, %dma_start3A_38] : memref<500000x128xf32, #tpu.memory_space<hbm>> -> memref<500000x128xf32, #tpu.memory_space<hbm>>
    tpu.enqueue_indirect_dma source(%dma_start3A_39 : memref<500000x128xf32, #tpu.memory_space<hbm>>) target(%dma_start3A_33 : memref<128x128xf32, #tpu.memory_space<vmem>>) offsets(%dma_start3A_36 : memref<128xi32, #tpu.memory_space<vmem>>) semaphore(%arg10 : memref<!tpu.dma_semaphore, #tpu.memory_space<semaphore_mem>>)
    %dma_wait3A = arith.constant 0 : i32
    %dma_wait3A_40 = arith.constant 0 : i32
    %dma_wait3A_41 = arith.constant 0 : i32
    %dma_wait3A_42 = tpu.memref_slice %arg8[%dma_wait3A_40, %dma_wait3A_41] : memref<512x128xf32, #tpu.memory_space<vmem>> -> memref<128x128xf32, #tpu.memory_space<vmem>>
    %dma_wait3A_43 = arith.constant 0 : i32
    %dma_wait3A_44 = tpu.memref_slice %arg6[%dma_wait3A, %dma_wait3A_43] : memref<4x128xi32, #tpu.memory_space<vmem>> -> memref<1x128xi32, #tpu.memory_space<vmem>>
    %dma_wait3A_45 = tpu.memref_squeeze %dma_wait3A_44 : memref<1x128xi32, #tpu.memory_space<vmem>> -> memref<128xi32, #tpu.memory_space<vmem>>
    %dma_wait3A_46 = arith.constant 0 : i32
    %dma_wait3A_47 = arith.constant 0 : i32
    %dma_wait3A_48 = tpu.memref_slice %arg2[%dma_wait3A_46, %dma_wait3A_47] : memref<500000x128xf32, #tpu.memory_space<hbm>> -> memref<500000x128xf32, #tpu.memory_space<hbm>>
    tpu.wait_indirect_dma semaphore(%arg10 : memref<!tpu.dma_semaphore, #tpu.memory_space<semaphore_mem>>) src(%dma_wait3A_48 : memref<500000x128xf32, #tpu.memory_space<hbm>>) dst(%dma_wait3A_42 : memref<128x128xf32, #tpu.memory_space<vmem>>)
    %dma_wait3A_49 = arith.constant 1 : i32
    %dma_wait3A_50 = arith.constant 128 : i32
    %dma_wait3A_51 = arith.constant 0 : i32
    %dma_wait3A_52 = tpu.memref_slice %arg8[%dma_wait3A_50, %dma_wait3A_51] : memref<512x128xf32, #tpu.memory_space<vmem>> -> memref<128x128xf32, #tpu.memory_space<vmem>>
    %dma_wait3A_53 = arith.constant 0 : i32
    %dma_wait3A_54 = tpu.memref_slice %arg6[%dma_wait3A_49, %dma_wait3A_53] : memref<4x128xi32, #tpu.memory_space<vmem>> -> memref<1x128xi32, #tpu.memory_space<vmem>>
    %dma_wait3A_55 = tpu.memref_squeeze %dma_wait3A_54 : memref<1x128xi32, #tpu.memory_space<vmem>> -> memref<128xi32, #tpu.memory_space<vmem>>
    %dma_wait3A_56 = arith.constant 0 : i32
    %dma_wait3A_57 = arith.constant 0 : i32
    %dma_wait3A_58 = tpu.memref_slice %arg2[%dma_wait3A_56, %dma_wait3A_57] : memref<500000x128xf32, #tpu.memory_space<hbm>> -> memref<500000x128xf32, #tpu.memory_space<hbm>>
    tpu.wait_indirect_dma semaphore(%arg10 : memref<!tpu.dma_semaphore, #tpu.memory_space<semaphore_mem>>) src(%dma_wait3A_58 : memref<500000x128xf32, #tpu.memory_space<hbm>>) dst(%dma_wait3A_52 : memref<128x128xf32, #tpu.memory_space<vmem>>)
    %dma_wait3A_59 = arith.constant 2 : i32
    %dma_wait3A_60 = arith.constant 256 : i32
    %dma_wait3A_61 = arith.constant 0 : i32
    %dma_wait3A_62 = tpu.memref_slice %arg8[%dma_wait3A_60, %dma_wait3A_61] : memref<512x128xf32, #tpu.memory_space<vmem>> -> memref<128x128xf32, #tpu.memory_space<vmem>>
    %dma_wait3A_63 = arith.constant 0 : i32
    %dma_wait3A_64 = tpu.memref_slice %arg6[%dma_wait3A_59, %dma_wait3A_63] : memref<4x128xi32, #tpu.memory_space<vmem>> -> memref<1x128xi32, #tpu.memory_space<vmem>>
    %dma_wait3A_65 = tpu.memref_squeeze %dma_wait3A_64 : memref<1x128xi32, #tpu.memory_space<vmem>> -> memref<128xi32, #tpu.memory_space<vmem>>
    %dma_wait3A_66 = arith.constant 0 : i32
    %dma_wait3A_67 = arith.constant 0 : i32
    %dma_wait3A_68 = tpu.memref_slice %arg2[%dma_wait3A_66, %dma_wait3A_67] : memref<500000x128xf32, #tpu.memory_space<hbm>> -> memref<500000x128xf32, #tpu.memory_space<hbm>>
    tpu.wait_indirect_dma semaphore(%arg10 : memref<!tpu.dma_semaphore, #tpu.memory_space<semaphore_mem>>) src(%dma_wait3A_68 : memref<500000x128xf32, #tpu.memory_space<hbm>>) dst(%dma_wait3A_62 : memref<128x128xf32, #tpu.memory_space<vmem>>)
    %dma_wait3A_69 = arith.constant 3 : i32
    %dma_wait3A_70 = arith.constant 384 : i32
    %dma_wait3A_71 = arith.constant 0 : i32
    %dma_wait3A_72 = tpu.memref_slice %arg8[%dma_wait3A_70, %dma_wait3A_71] : memref<512x128xf32, #tpu.memory_space<vmem>> -> memref<128x128xf32, #tpu.memory_space<vmem>>
    %dma_wait3A_73 = arith.constant 0 : i32
    %dma_wait3A_74 = tpu.memref_slice %arg6[%dma_wait3A_69, %dma_wait3A_73] : memref<4x128xi32, #tpu.memory_space<vmem>> -> memref<1x128xi32, #tpu.memory_space<vmem>>
    %dma_wait3A_75 = tpu.memref_squeeze %dma_wait3A_74 : memref<1x128xi32, #tpu.memory_space<vmem>> -> memref<128xi32, #tpu.memory_space<vmem>>
    %dma_wait3A_76 = arith.constant 0 : i32
    %dma_wait3A_77 = arith.constant 0 : i32
    %dma_wait3A_78 = tpu.memref_slice %arg2[%dma_wait3A_76, %dma_wait3A_77] : memref<500000x128xf32, #tpu.memory_space<hbm>> -> memref<500000x128xf32, #tpu.memory_space<hbm>>
    tpu.wait_indirect_dma semaphore(%arg10 : memref<!tpu.dma_semaphore, #tpu.memory_space<semaphore_mem>>) src(%dma_wait3A_78 : memref<500000x128xf32, #tpu.memory_space<hbm>>) dst(%dma_wait3A_72 : memref<128x128xf32, #tpu.memory_space<vmem>>)
    %iota3A = tpu.iota {dimensions = array<i32: 0>} : vector<16xi32>
    %scan3A = arith.constant 0 : i32
    %scan3A_79 = arith.constant 0 : i32
    %scan3A_80 = arith.constant 32 : i32
    %scan3A_81 = arith.addi %scan3A_79, %scan3A_80 : i32
    %scan3A_82 = arith.constant 1 : i32
    %scan3A_83 = scf.for %scan3A_87 = %scan3A_79 to %scan3A_81 step %scan3A_82 iter_args(%scan3A_88 = %scan3A) -> (i32)  : i32 {
      %mul3A_89 = arith.constant 16 : i32
      %mul3A_90 = arith.muli %scan3A_87, %mul3A_89 : i32
      %add3A_91 = vector.broadcast %mul3A_90 : i32 to vector<16xi32>
      %add3A_92 = arith.addi %add3A_91, %iota3A : vector<16xi32>
      %mul3A_93 = arith.constant 16 : i32
      %mul3A_94 = arith.muli %scan3A_87, %mul3A_93 : i32
      %get3A = arith.index_cast %mul3A_94 : i32 to index
      %get3A_95 = tpu.vector_load %arg7[%get3A] {strides = array<i32>} : memref<512xi32, #tpu.memory_space<vmem>>, vector<16xi32>,
      %and3A = arith.constant 1 : i32
      %and3A_96 = vector.broadcast %and3A : i32 to vector<16xi32>
      %and3A_97 = arith.andi %get3A_95, %and3A_96 : vector<16xi32>
      %mul3A_98 = arith.constant 64 : i32
      %mul3A_99 = vector.broadcast %mul3A_98 : i32 to vector<16xi32>
      %mul3A_100 = arith.muli %and3A_97, %mul3A_99 : vector<16xi32>
      %add3A_101 = arith.constant 0 : i32
      %add3A_102 = vector.broadcast %add3A_101 : i32 to vector<16xi32>
      %add3A_103 = arith.addi %mul3A_100, %add3A_102 : vector<16xi32>
      %gather3A = tpu.vector_load_idx %arg8[%add3A_92, %add3A_103] : memref<512x128xf32, #tpu.memory_space<vmem>>[vector<16xi32>, vector<16xi32>], vector<16xf32>,
      %mul3A_104 = arith.constant 0 : i32
      %mul3A_105 = vector.broadcast %mul3A_104 : i32 to vector<16xi32>
      %mul3A_106 = arith.muli %iota3A, %mul3A_105 : vector<16xi32>
      %add3A_107 = arith.constant 0 : i32
      %add3A_108 = vector.broadcast %add3A_107 : i32 to vector<16xi32>
      %add3A_109 = arith.addi %mul3A_106, %add3A_108 : vector<16xi32>
      tpu.vector_store_idx %arg9[%add3A_92, %add3A_109], %gather3A : memref<512x64xf32, #tpu.memory_space<vmem>>[vector<16xi32>, vector<16xi32>], vector<16xf32>,
      %add3A_110 = arith.constant 1 : i32
      %add3A_111 = vector.broadcast %add3A_110 : i32 to vector<16xi32>
      %add3A_112 = arith.addi %mul3A_100, %add3A_111 : vector<16xi32>
      %gather3A_113 = tpu.vector_load_idx %arg8[%add3A_92, %add3A_112] : memref<512x128xf32, #tpu.memory_space<vmem>>[vector<16xi32>, vector<16xi32>], vector<16xf32>,
      %mul3A_114 = arith.constant 0 : i32
      %mul3A_115 = vector.broadcast %mul3A_114 : i32 to vector<16xi32>
      %mul3A_116 = arith.muli %iota3A, %mul3A_115 : vector<16xi32>
      %add3A_117 = arith.constant 1 : i32
      %add3A_118 = vector.broadcast %add3A_117 : i32 to vector<16xi32>
      %add3A_119 = arith.addi %mul3A_116, %add3A_118 : vector<16xi32>
      tpu.vector_store_idx %arg9[%add3A_92, %add3A_119], %gather3A_113 : memref<512x64xf32, #tpu.memory_space<vmem>>[vector<16xi32>, vector<16xi32>], vector<16xf32>,
      %add3A_120 = arith.constant 2 : i32
      %add3A_121 = vector.broadcast %add3A_120 : i32 to vector<16xi32>
      %add3A_122 = arith.addi %mul3A_100, %add3A_121 : vector<16xi32>
      %gather3A_123 = tpu.vector_load_idx %arg8[%add3A_92, %add3A_122] : memref<512x128xf32, #tpu.memory_space<vmem>>[vector<16xi32>, vector<16xi32>], vector<16xf32>,
      %mul3A_124 = arith.constant 0 : i32
      %mul3A_125 = vector.broadcast %mul3A_124 : i32 to vector<16xi32>
      %mul3A_126 = arith.muli %iota3A, %mul3A_125 : vector<16xi32>
      %add3A_127 = arith.constant 2 : i32
      %add3A_128 = vector.broadcast %add3A_127 : i32 to vector<16xi32>
      %add3A_129 = arith.addi %mul3A_126, %add3A_128 : vector<16xi32>
      tpu.vector_store_idx %arg9[%add3A_92, %add3A_129], %gather3A_123 : memref<512x64xf32, #tpu.memory_space<vmem>>[vector<16xi32>, vector<16xi32>], vector<16xf32>,
      %add3A_130 = arith.constant 3 : i32
      %add3A_131 = vector.broadcast %add3A_130 : i32 to vector<16xi32>
      %add3A_132 = arith.addi %mul3A_100, %add3A_131 : vector<16xi32>
      %gather3A_133 = tpu.vector_load_idx %arg8[%add3A_92, %add3A_132] : memref<512x128xf32, #tpu.memory_space<vmem>>[vector<16xi32>, vector<16xi32>], vector<16xf32>,
      %mul3A_134 = arith.constant 0 : i32
      %mul3A_135 = vector.broadcast %mul3A_134 : i32 to vector<16xi32>
      %mul3A_136 = arith.muli %iota3A, %mul3A_135 : vector<16xi32>
      %add3A_137 = arith.constant 3 : i32
      %add3A_138 = vector.broadcast %add3A_137 : i32 to vector<16xi32>
      %add3A_139 = arith.addi %mul3A_136, %add3A_138 : vector<16xi32>
      tpu.vector_store_idx %arg9[%add3A_92, %add3A_139], %gather3A_133 : memref<512x64xf32, #tpu.memory_space<vmem>>[vector<16xi32>, vector<16xi32>], vector<16xf32>,
      %add3A_140 = arith.constant 4 : i32
      %add3A_141 = vector.broadcast %add3A_140 : i32 to vector<16xi32>
      %add3A_142 = arith.addi %mul3A_100, %add3A_141 : vector<16xi32>
      %gather3A_143 = tpu.vector_load_idx %arg8[%add3A_92, %add3A_142] : memref<512x128xf32, #tpu.memory_space<vmem>>[vector<16xi32>, vector<16xi32>], vector<16xf32>,
      %mul3A_144 = arith.constant 0 : i32
      %mul3A_145 = vector.broadcast %mul3A_144 : i32 to vector<16xi32>
      %mul3A_146 = arith.muli %iota3A, %mul3A_145 : vector<16xi32>
      %add3A_147 = arith.constant 4 : i32
      %add3A_148 = vector.broadcast %add3A_147 : i32 to vector<16xi32>
      %add3A_149 = arith.addi %mul3A_146, %add3A_148 : vector<16xi32>
      tpu.vector_store_idx %arg9[%add3A_92, %add3A_149], %gather3A_143 : memref<512x64xf32, #tpu.memory_space<vmem>>[vector<16xi32>, vector<16xi32>], vector<16xf32>,
      %add3A_150 = arith.constant 5 : i32
      %add3A_151 = vector.broadcast %add3A_150 : i32 to vector<16xi32>
      %add3A_152 = arith.addi %mul3A_100, %add3A_151 : vector<16xi32>
      %gather3A_153 = tpu.vector_load_idx %arg8[%add3A_92, %add3A_152] : memref<512x128xf32, #tpu.memory_space<vmem>>[vector<16xi32>, vector<16xi32>], vector<16xf32>,
      %mul3A_154 = arith.constant 0 : i32
      %mul3A_155 = vector.broadcast %mul3A_154 : i32 to vector<16xi32>
      %mul3A_156 = arith.muli %iota3A, %mul3A_155 : vector<16xi32>
      %add3A_157 = arith.constant 5 : i32
      %add3A_158 = vector.broadcast %add3A_157 : i32 to vector<16xi32>
      %add3A_159 = arith.addi %mul3A_156, %add3A_158 : vector<16xi32>
      tpu.vector_store_idx %arg9[%add3A_92, %add3A_159], %gather3A_153 : memref<512x64xf32, #tpu.memory_space<vmem>>[vector<16xi32>, vector<16xi32>], vector<16xf32>,
      %add3A_160 = arith.constant 6 : i32
      %add3A_161 = vector.broadcast %add3A_160 : i32 to vector<16xi32>
      %add3A_162 = arith.addi %mul3A_100, %add3A_161 : vector<16xi32>
      %gather3A_163 = tpu.vector_load_idx %arg8[%add3A_92, %add3A_162] : memref<512x128xf32, #tpu.memory_space<vmem>>[vector<16xi32>, vector<16xi32>], vector<16xf32>,
      %mul3A_164 = arith.constant 0 : i32
      %mul3A_165 = vector.broadcast %mul3A_164 : i32 to vector<16xi32>
      %mul3A_166 = arith.muli %iota3A, %mul3A_165 : vector<16xi32>
      %add3A_167 = arith.constant 6 : i32
      %add3A_168 = vector.broadcast %add3A_167 : i32 to vector<16xi32>
      %add3A_169 = arith.addi %mul3A_166, %add3A_168 : vector<16xi32>
      tpu.vector_store_idx %arg9[%add3A_92, %add3A_169], %gather3A_163 : memref<512x64xf32, #tpu.memory_space<vmem>>[vector<16xi32>, vector<16xi32>], vector<16xf32>,
      %add3A_170 = arith.constant 7 : i32
      %add3A_171 = vector.broadcast %add3A_170 : i32 to vector<16xi32>
      %add3A_172 = arith.addi %mul3A_100, %add3A_171 : vector<16xi32>
      %gather3A_173 = tpu.vector_load_idx %arg8[%add3A_92, %add3A_172] : memref<512x128xf32, #tpu.memory_space<vmem>>[vector<16xi32>, vector<16xi32>], vector<16xf32>,
      %mul3A_174 = arith.constant 0 : i32
      %mul3A_175 = vector.broadcast %mul3A_174 : i32 to vector<16xi32>
      %mul3A_176 = arith.muli %iota3A, %mul3A_175 : vector<16xi32>
      %add3A_177 = arith.constant 7 : i32
      %add3A_178 = vector.broadcast %add3A_177 : i32 to vector<16xi32>
      %add3A_179 = arith.addi %mul3A_176, %add3A_178 : vector<16xi32>
      tpu.vector_store_idx %arg9[%add3A_92, %add3A_179], %gather3A_173 : memref<512x64xf32, #tpu.memory_space<vmem>>[vector<16xi32>, vector<16xi32>], vector<16xf32>,
      %add3A_180 = arith.constant 8 : i32
      %add3A_181 = vector.broadcast %add3A_180 : i32 to vector<16xi32>
      %add3A_182 = arith.addi %mul3A_100, %add3A_181 : vector<16xi32>
      %gather3A_183 = tpu.vector_load_idx %arg8[%add3A_92, %add3A_182] : memref<512x128xf32, #tpu.memory_space<vmem>>[vector<16xi32>, vector<16xi32>], vector<16xf32>,
      %mul3A_184 = arith.constant 0 : i32
      %mul3A_185 = vector.broadcast %mul3A_184 : i32 to vector<16xi32>
      %mul3A_186 = arith.muli %iota3A, %mul3A_185 : vector<16xi32>
      %add3A_187 = arith.constant 8 : i32
      %add3A_188 = vector.broadcast %add3A_187 : i32 to vector<16xi32>
      %add3A_189 = arith.addi %mul3A_186, %add3A_188 : vector<16xi32>
      tpu.vector_store_idx %arg9[%add3A_92, %add3A_189], %gather3A_183 : memref<512x64xf32, #tpu.memory_space<vmem>>[vector<16xi32>, vector<16xi32>], vector<16xf32>,
      %add3A_190 = arith.constant 9 : i32
      %add3A_191 = vector.broadcast %add3A_190 : i32 to vector<16xi32>
      %add3A_192 = arith.addi %mul3A_100, %add3A_191 : vector<16xi32>
      %gather3A_193 = tpu.vector_load_idx %arg8[%add3A_92, %add3A_192] : memref<512x128xf32, #tpu.memory_space<vmem>>[vector<16xi32>, vector<16xi32>], vector<16xf32>,
      %mul3A_194 = arith.constant 0 : i32
      %mul3A_195 = vector.broadcast %mul3A_194 : i32 to vector<16xi32>
      %mul3A_196 = arith.muli %iota3A, %mul3A_195 : vector<16xi32>
      %add3A_197 = arith.constant 9 : i32
      %add3A_198 = vector.broadcast %add3A_197 : i32 to vector<16xi32>
      %add3A_199 = arith.addi %mul3A_196, %add3A_198 : vector<16xi32>
      tpu.vector_store_idx %arg9[%add3A_92, %add3A_199], %gather3A_193 : memref<512x64xf32, #tpu.memory_space<vmem>>[vector<16xi32>, vector<16xi32>], vector<16xf32>,
      %add3A_200 = arith.constant 10 : i32
      %add3A_201 = vector.broadcast %add3A_200 : i32 to vector<16xi32>
      %add3A_202 = arith.addi %mul3A_100, %add3A_201 : vector<16xi32>
      %gather3A_203 = tpu.vector_load_idx %arg8[%add3A_92, %add3A_202] : memref<512x128xf32, #tpu.memory_space<vmem>>[vector<16xi32>, vector<16xi32>], vector<16xf32>,
      %mul3A_204 = arith.constant 0 : i32
      %mul3A_205 = vector.broadcast %mul3A_204 : i32 to vector<16xi32>
      %mul3A_206 = arith.muli %iota3A, %mul3A_205 : vector<16xi32>
      %add3A_207 = arith.constant 10 : i32
      %add3A_208 = vector.broadcast %add3A_207 : i32 to vector<16xi32>
      %add3A_209 = arith.addi %mul3A_206, %add3A_208 : vector<16xi32>
      tpu.vector_store_idx %arg9[%add3A_92, %add3A_209], %gather3A_203 : memref<512x64xf32, #tpu.memory_space<vmem>>[vector<16xi32>, vector<16xi32>], vector<16xf32>,
      %add3A_210 = arith.constant 11 : i32
      %add3A_211 = vector.broadcast %add3A_210 : i32 to vector<16xi32>
      %add3A_212 = arith.addi %mul3A_100, %add3A_211 : vector<16xi32>
      %gather3A_213 = tpu.vector_load_idx %arg8[%add3A_92, %add3A_212] : memref<512x128xf32, #tpu.memory_space<vmem>>[vector<16xi32>, vector<16xi32>], vector<16xf32>,
      %mul3A_214 = arith.constant 0 : i32
      %mul3A_215 = vector.broadcast %mul3A_214 : i32 to vector<16xi32>
      %mul3A_216 = arith.muli %iota3A, %mul3A_215 : vector<16xi32>
      %add3A_217 = arith.constant 11 : i32
      %add3A_218 = vector.broadcast %add3A_217 : i32 to vector<16xi32>
      %add3A_219 = arith.addi %mul3A_216, %add3A_218 : vector<16xi32>
      tpu.vector_store_idx %arg9[%add3A_92, %add3A_219], %gather3A_213 : memref<512x64xf32, #tpu.memory_space<vmem>>[vector<16xi32>, vector<16xi32>], vector<16xf32>,
      %add3A_220 = arith.constant 12 : i32
      %add3A_221 = vector.broadcast %add3A_220 : i32 to vector<16xi32>
      %add3A_222 = arith.addi %mul3A_100, %add3A_221 : vector<16xi32>
      %gather3A_223 = tpu.vector_load_idx %arg8[%add3A_92, %add3A_222] : memref<512x128xf32, #tpu.memory_space<vmem>>[vector<16xi32>, vector<16xi32>], vector<16xf32>,
      %mul3A_224 = arith.constant 0 : i32
      %mul3A_225 = vector.broadcast %mul3A_224 : i32 to vector<16xi32>
      %mul3A_226 = arith.muli %iota3A, %mul3A_225 : vector<16xi32>
      %add3A_227 = arith.constant 12 : i32
      %add3A_228 = vector.broadcast %add3A_227 : i32 to vector<16xi32>
      %add3A_229 = arith.addi %mul3A_226, %add3A_228 : vector<16xi32>
      tpu.vector_store_idx %arg9[%add3A_92, %add3A_229], %gather3A_223 : memref<512x64xf32, #tpu.memory_space<vmem>>[vector<16xi32>, vector<16xi32>], vector<16xf32>,
      %add3A_230 = arith.constant 13 : i32
      %add3A_231 = vector.broadcast %add3A_230 : i32 to vector<16xi32>
      %add3A_232 = arith.addi %mul3A_100, %add3A_231 : vector<16xi32>
      %gather3A_233 = tpu.vector_load_idx %arg8[%add3A_92, %add3A_232] : memref<512x128xf32, #tpu.memory_space<vmem>>[vector<16xi32>, vector<16xi32>], vector<16xf32>,
      %mul3A_234 = arith.constant 0 : i32
      %mul3A_235 = vector.broadcast %mul3A_234 : i32 to vector<16xi32>
      %mul3A_236 = arith.muli %iota3A, %mul3A_235 : vector<16xi32>
      %add3A_237 = arith.constant 13 : i32
      %add3A_238 = vector.broadcast %add3A_237 : i32 to vector<16xi32>
      %add3A_239 = arith.addi %mul3A_236, %add3A_238 : vector<16xi32>
      tpu.vector_store_idx %arg9[%add3A_92, %add3A_239], %gather3A_233 : memref<512x64xf32, #tpu.memory_space<vmem>>[vector<16xi32>, vector<16xi32>], vector<16xf32>,
      %add3A_240 = arith.constant 14 : i32
      %add3A_241 = vector.broadcast %add3A_240 : i32 to vector<16xi32>
      %add3A_242 = arith.addi %mul3A_100, %add3A_241 : vector<16xi32>
      %gather3A_243 = tpu.vector_load_idx %arg8[%add3A_92, %add3A_242] : memref<512x128xf32, #tpu.memory_space<vmem>>[vector<16xi32>, vector<16xi32>], vector<16xf32>,
      %mul3A_244 = arith.constant 0 : i32
      %mul3A_245 = vector.broadcast %mul3A_244 : i32 to vector<16xi32>
      %mul3A_246 = arith.muli %iota3A, %mul3A_245 : vector<16xi32>
      %add3A_247 = arith.constant 14 : i32
      %add3A_248 = vector.broadcast %add3A_247 : i32 to vector<16xi32>
      %add3A_249 = arith.addi %mul3A_246, %add3A_248 : vector<16xi32>
      tpu.vector_store_idx %arg9[%add3A_92, %add3A_249], %gather3A_243 : memref<512x64xf32, #tpu.memory_space<vmem>>[vector<16xi32>, vector<16xi32>], vector<16xf32>,
      %add3A_250 = arith.constant 15 : i32
      %add3A_251 = vector.broadcast %add3A_250 : i32 to vector<16xi32>
      %add3A_252 = arith.addi %mul3A_100, %add3A_251 : vector<16xi32>
      %gather3A_253 = tpu.vector_load_idx %arg8[%add3A_92, %add3A_252] : memref<512x128xf32, #tpu.memory_space<vmem>>[vector<16xi32>, vector<16xi32>], vector<16xf32>,
      %mul3A_254 = arith.constant 0 : i32
      %mul3A_255 = vector.broadcast %mul3A_254 : i32 to vector<16xi32>
      %mul3A_256 = arith.muli %iota3A, %mul3A_255 : vector<16xi32>
      %add3A_257 = arith.constant 15 : i32
      %add3A_258 = vector.broadcast %add3A_257 : i32 to vector<16xi32>
      %add3A_259 = arith.addi %mul3A_256, %add3A_258 : vector<16xi32>
      tpu.vector_store_idx %arg9[%add3A_92, %add3A_259], %gather3A_253 : memref<512x64xf32, #tpu.memory_space<vmem>>[vector<16xi32>, vector<16xi32>], vector<16xf32>,
      %add3A_260 = arith.constant 16 : i32
      %add3A_261 = vector.broadcast %add3A_260 : i32 to vector<16xi32>
      %add3A_262 = arith.addi %mul3A_100, %add3A_261 : vector<16xi32>
      %gather3A_263 = tpu.vector_load_idx %arg8[%add3A_92, %add3A_262] : memref<512x128xf32, #tpu.memory_space<vmem>>[vector<16xi32>, vector<16xi32>], vector<16xf32>,
      %mul3A_264 = arith.constant 0 : i32
      %mul3A_265 = vector.broadcast %mul3A_264 : i32 to vector<16xi32>
      %mul3A_266 = arith.muli %iota3A, %mul3A_265 : vector<16xi32>
      %add3A_267 = arith.constant 16 : i32
      %add3A_268 = vector.broadcast %add3A_267 : i32 to vector<16xi32>
      %add3A_269 = arith.addi %mul3A_266, %add3A_268 : vector<16xi32>
      tpu.vector_store_idx %arg9[%add3A_92, %add3A_269], %gather3A_263 : memref<512x64xf32, #tpu.memory_space<vmem>>[vector<16xi32>, vector<16xi32>], vector<16xf32>,
      %add3A_270 = arith.constant 17 : i32
      %add3A_271 = vector.broadcast %add3A_270 : i32 to vector<16xi32>
      %add3A_272 = arith.addi %mul3A_100, %add3A_271 : vector<16xi32>
      %gather3A_273 = tpu.vector_load_idx %arg8[%add3A_92, %add3A_272] : memref<512x128xf32, #tpu.memory_space<vmem>>[vector<16xi32>, vector<16xi32>], vector<16xf32>,
      %mul3A_274 = arith.constant 0 : i32
      %mul3A_275 = vector.broadcast %mul3A_274 : i32 to vector<16xi32>
      %mul3A_276 = arith.muli %iota3A, %mul3A_275 : vector<16xi32>
      %add3A_277 = arith.constant 17 : i32
      %add3A_278 = vector.broadcast %add3A_277 : i32 to vector<16xi32>
      %add3A_279 = arith.addi %mul3A_276, %add3A_278 : vector<16xi32>
      tpu.vector_store_idx %arg9[%add3A_92, %add3A_279], %gather3A_273 : memref<512x64xf32, #tpu.memory_space<vmem>>[vector<16xi32>, vector<16xi32>], vector<16xf32>,
      %add3A_280 = arith.constant 18 : i32
      %add3A_281 = vector.broadcast %add3A_280 : i32 to vector<16xi32>
      %add3A_282 = arith.addi %mul3A_100, %add3A_281 : vector<16xi32>
      %gather3A_283 = tpu.vector_load_idx %arg8[%add3A_92, %add3A_282] : memref<512x128xf32, #tpu.memory_space<vmem>>[vector<16xi32>, vector<16xi32>], vector<16xf32>,
      %mul3A_284 = arith.constant 0 : i32
      %mul3A_285 = vector.broadcast %mul3A_284 : i32 to vector<16xi32>
      %mul3A_286 = arith.muli %iota3A, %mul3A_285 : vector<16xi32>
      %add3A_287 = arith.constant 18 : i32
      %add3A_288 = vector.broadcast %add3A_287 : i32 to vector<16xi32>
      %add3A_289 = arith.addi %mul3A_286, %add3A_288 : vector<16xi32>
      tpu.vector_store_idx %arg9[%add3A_92, %add3A_289], %gather3A_283 : memref<512x64xf32, #tpu.memory_space<vmem>>[vector<16xi32>, vector<16xi32>], vector<16xf32>,
      %add3A_290 = arith.constant 19 : i32
      %add3A_291 = vector.broadcast %add3A_290 : i32 to vector<16xi32>
      %add3A_292 = arith.addi %mul3A_100, %add3A_291 : vector<16xi32>
      %gather3A_293 = tpu.vector_load_idx %arg8[%add3A_92, %add3A_292] : memref<512x128xf32, #tpu.memory_space<vmem>>[vector<16xi32>, vector<16xi32>], vector<16xf32>,
      %mul3A_294 = arith.constant 0 : i32
      %mul3A_295 = vector.broadcast %mul3A_294 : i32 to vector<16xi32>
      %mul3A_296 = arith.muli %iota3A, %mul3A_295 : vector<16xi32>
      %add3A_297 = arith.constant 19 : i32
      %add3A_298 = vector.broadcast %add3A_297 : i32 to vector<16xi32>
      %add3A_299 = arith.addi %mul3A_296, %add3A_298 : vector<16xi32>
      tpu.vector_store_idx %arg9[%add3A_92, %add3A_299], %gather3A_293 : memref<512x64xf32, #tpu.memory_space<vmem>>[vector<16xi32>, vector<16xi32>], vector<16xf32>,
      %add3A_300 = arith.constant 20 : i32
      %add3A_301 = vector.broadcast %add3A_300 : i32 to vector<16xi32>
      %add3A_302 = arith.addi %mul3A_100, %add3A_301 : vector<16xi32>
      %gather3A_303 = tpu.vector_load_idx %arg8[%add3A_92, %add3A_302] : memref<512x128xf32, #tpu.memory_space<vmem>>[vector<16xi32>, vector<16xi32>], vector<16xf32>,
      %mul3A_304 = arith.constant 0 : i32
      %mul3A_305 = vector.broadcast %mul3A_304 : i32 to vector<16xi32>
      %mul3A_306 = arith.muli %iota3A, %mul3A_305 : vector<16xi32>
      %add3A_307 = arith.constant 20 : i32
      %add3A_308 = vector.broadcast %add3A_307 : i32 to vector<16xi32>
      %add3A_309 = arith.addi %mul3A_306, %add3A_308 : vector<16xi32>
      tpu.vector_store_idx %arg9[%add3A_92, %add3A_309], %gather3A_303 : memref<512x64xf32, #tpu.memory_space<vmem>>[vector<16xi32>, vector<16xi32>], vector<16xf32>,
      %add3A_310 = arith.constant 21 : i32
      %add3A_311 = vector.broadcast %add3A_310 : i32 to vector<16xi32>
      %add3A_312 = arith.addi %mul3A_100, %add3A_311 : vector<16xi32>
      %gather3A_313 = tpu.vector_load_idx %arg8[%add3A_92, %add3A_312] : memref<512x128xf32, #tpu.memory_space<vmem>>[vector<16xi32>, vector<16xi32>], vector<16xf32>,
      %mul3A_314 = arith.constant 0 : i32
      %mul3A_315 = vector.broadcast %mul3A_314 : i32 to vector<16xi32>
      %mul3A_316 = arith.muli %iota3A, %mul3A_315 : vector<16xi32>
      %add3A_317 = arith.constant 21 : i32
      %add3A_318 = vector.broadcast %add3A_317 : i32 to vector<16xi32>
      %add3A_319 = arith.addi %mul3A_316, %add3A_318 : vector<16xi32>
      tpu.vector_store_idx %arg9[%add3A_92, %add3A_319], %gather3A_313 : memref<512x64xf32, #tpu.memory_space<vmem>>[vector<16xi32>, vector<16xi32>], vector<16xf32>,
      %add3A_320 = arith.constant 22 : i32
      %add3A_321 = vector.broadcast %add3A_320 : i32 to vector<16xi32>
      %add3A_322 = arith.addi %mul3A_100, %add3A_321 : vector<16xi32>
      %gather3A_323 = tpu.vector_load_idx %arg8[%add3A_92, %add3A_322] : memref<512x128xf32, #tpu.memory_space<vmem>>[vector<16xi32>, vector<16xi32>], vector<16xf32>,
      %mul3A_324 = arith.constant 0 : i32
      %mul3A_325 = vector.broadcast %mul3A_324 : i32 to vector<16xi32>
      %mul3A_326 = arith.muli %iota3A, %mul3A_325 : vector<16xi32>
      %add3A_327 = arith.constant 22 : i32
      %add3A_328 = vector.broadcast %add3A_327 : i32 to vector<16xi32>
      %add3A_329 = arith.addi %mul3A_326, %add3A_328 : vector<16xi32>
      tpu.vector_store_idx %arg9[%add3A_92, %add3A_329], %gather3A_323 : memref<512x64xf32, #tpu.memory_space<vmem>>[vector<16xi32>, vector<16xi32>], vector<16xf32>,
      %add3A_330 = arith.constant 23 : i32
      %add3A_331 = vector.broadcast %add3A_330 : i32 to vector<16xi32>
      %add3A_332 = arith.addi %mul3A_100, %add3A_331 : vector<16xi32>
      %gather3A_333 = tpu.vector_load_idx %arg8[%add3A_92, %add3A_332] : memref<512x128xf32, #tpu.memory_space<vmem>>[vector<16xi32>, vector<16xi32>], vector<16xf32>,
      %mul3A_334 = arith.constant 0 : i32
      %mul3A_335 = vector.broadcast %mul3A_334 : i32 to vector<16xi32>
      %mul3A_336 = arith.muli %iota3A, %mul3A_335 : vector<16xi32>
      %add3A_337 = arith.constant 23 : i32
      %add3A_338 = vector.broadcast %add3A_337 : i32 to vector<16xi32>
      %add3A_339 = arith.addi %mul3A_336, %add3A_338 : vector<16xi32>
      tpu.vector_store_idx %arg9[%add3A_92, %add3A_339], %gather3A_333 : memref<512x64xf32, #tpu.memory_space<vmem>>[vector<16xi32>, vector<16xi32>], vector<16xf32>,
      %add3A_340 = arith.constant 24 : i32
      %add3A_341 = vector.broadcast %add3A_340 : i32 to vector<16xi32>
      %add3A_342 = arith.addi %mul3A_100, %add3A_341 : vector<16xi32>
      %gather3A_343 = tpu.vector_load_idx %arg8[%add3A_92, %add3A_342] : memref<512x128xf32, #tpu.memory_space<vmem>>[vector<16xi32>, vector<16xi32>], vector<16xf32>,
      %mul3A_344 = arith.constant 0 : i32
      %mul3A_345 = vector.broadcast %mul3A_344 : i32 to vector<16xi32>
      %mul3A_346 = arith.muli %iota3A, %mul3A_345 : vector<16xi32>
      %add3A_347 = arith.constant 24 : i32
      %add3A_348 = vector.broadcast %add3A_347 : i32 to vector<16xi32>
      %add3A_349 = arith.addi %mul3A_346, %add3A_348 : vector<16xi32>
      tpu.vector_store_idx %arg9[%add3A_92, %add3A_349], %gather3A_343 : memref<512x64xf32, #tpu.memory_space<vmem>>[vector<16xi32>, vector<16xi32>], vector<16xf32>,
      %add3A_350 = arith.constant 25 : i32
      %add3A_351 = vector.broadcast %add3A_350 : i32 to vector<16xi32>
      %add3A_352 = arith.addi %mul3A_100, %add3A_351 : vector<16xi32>
      %gather3A_353 = tpu.vector_load_idx %arg8[%add3A_92, %add3A_352] : memref<512x128xf32, #tpu.memory_space<vmem>>[vector<16xi32>, vector<16xi32>], vector<16xf32>,
      %mul3A_354 = arith.constant 0 : i32
      %mul3A_355 = vector.broadcast %mul3A_354 : i32 to vector<16xi32>
      %mul3A_356 = arith.muli %iota3A, %mul3A_355 : vector<16xi32>
      %add3A_357 = arith.constant 25 : i32
      %add3A_358 = vector.broadcast %add3A_357 : i32 to vector<16xi32>
      %add3A_359 = arith.addi %mul3A_356, %add3A_358 : vector<16xi32>
      tpu.vector_store_idx %arg9[%add3A_92, %add3A_359], %gather3A_353 : memref<512x64xf32, #tpu.memory_space<vmem>>[vector<16xi32>, vector<16xi32>], vector<16xf32>,
      %add3A_360 = arith.constant 26 : i32
      %add3A_361 = vector.broadcast %add3A_360 : i32 to vector<16xi32>
      %add3A_362 = arith.addi %mul3A_100, %add3A_361 : vector<16xi32>
      %gather3A_363 = tpu.vector_load_idx %arg8[%add3A_92, %add3A_362] : memref<512x128xf32, #tpu.memory_space<vmem>>[vector<16xi32>, vector<16xi32>], vector<16xf32>,
      %mul3A_364 = arith.constant 0 : i32
      %mul3A_365 = vector.broadcast %mul3A_364 : i32 to vector<16xi32>
      %mul3A_366 = arith.muli %iota3A, %mul3A_365 : vector<16xi32>
      %add3A_367 = arith.constant 26 : i32
      %add3A_368 = vector.broadcast %add3A_367 : i32 to vector<16xi32>
      %add3A_369 = arith.addi %mul3A_366, %add3A_368 : vector<16xi32>
      tpu.vector_store_idx %arg9[%add3A_92, %add3A_369], %gather3A_363 : memref<512x64xf32, #tpu.memory_space<vmem>>[vector<16xi32>, vector<16xi32>], vector<16xf32>,
      %add3A_370 = arith.constant 27 : i32
      %add3A_371 = vector.broadcast %add3A_370 : i32 to vector<16xi32>
      %add3A_372 = arith.addi %mul3A_100, %add3A_371 : vector<16xi32>
      %gather3A_373 = tpu.vector_load_idx %arg8[%add3A_92, %add3A_372] : memref<512x128xf32, #tpu.memory_space<vmem>>[vector<16xi32>, vector<16xi32>], vector<16xf32>,
      %mul3A_374 = arith.constant 0 : i32
      %mul3A_375 = vector.broadcast %mul3A_374 : i32 to vector<16xi32>
      %mul3A_376 = arith.muli %iota3A, %mul3A_375 : vector<16xi32>
      %add3A_377 = arith.constant 27 : i32
      %add3A_378 = vector.broadcast %add3A_377 : i32 to vector<16xi32>
      %add3A_379 = arith.addi %mul3A_376, %add3A_378 : vector<16xi32>
      tpu.vector_store_idx %arg9[%add3A_92, %add3A_379], %gather3A_373 : memref<512x64xf32, #tpu.memory_space<vmem>>[vector<16xi32>, vector<16xi32>], vector<16xf32>,
      %add3A_380 = arith.constant 28 : i32
      %add3A_381 = vector.broadcast %add3A_380 : i32 to vector<16xi32>
      %add3A_382 = arith.addi %mul3A_100, %add3A_381 : vector<16xi32>
      %gather3A_383 = tpu.vector_load_idx %arg8[%add3A_92, %add3A_382] : memref<512x128xf32, #tpu.memory_space<vmem>>[vector<16xi32>, vector<16xi32>], vector<16xf32>,
      %mul3A_384 = arith.constant 0 : i32
      %mul3A_385 = vector.broadcast %mul3A_384 : i32 to vector<16xi32>
      %mul3A_386 = arith.muli %iota3A, %mul3A_385 : vector<16xi32>
      %add3A_387 = arith.constant 28 : i32
      %add3A_388 = vector.broadcast %add3A_387 : i32 to vector<16xi32>
      %add3A_389 = arith.addi %mul3A_386, %add3A_388 : vector<16xi32>
      tpu.vector_store_idx %arg9[%add3A_92, %add3A_389], %gather3A_383 : memref<512x64xf32, #tpu.memory_space<vmem>>[vector<16xi32>, vector<16xi32>], vector<16xf32>,
      %add3A_390 = arith.constant 29 : i32
      %add3A_391 = vector.broadcast %add3A_390 : i32 to vector<16xi32>
      %add3A_392 = arith.addi %mul3A_100, %add3A_391 : vector<16xi32>
      %gather3A_393 = tpu.vector_load_idx %arg8[%add3A_92, %add3A_392] : memref<512x128xf32, #tpu.memory_space<vmem>>[vector<16xi32>, vector<16xi32>], vector<16xf32>,
      %mul3A_394 = arith.constant 0 : i32
      %mul3A_395 = vector.broadcast %mul3A_394 : i32 to vector<16xi32>
      %mul3A_396 = arith.muli %iota3A, %mul3A_395 : vector<16xi32>
      %add3A_397 = arith.constant 29 : i32
      %add3A_398 = vector.broadcast %add3A_397 : i32 to vector<16xi32>
      %add3A_399 = arith.addi %mul3A_396, %add3A_398 : vector<16xi32>
      tpu.vector_store_idx %arg9[%add3A_92, %add3A_399], %gather3A_393 : memref<512x64xf32, #tpu.memory_space<vmem>>[vector<16xi32>, vector<16xi32>], vector<16xf32>,
      %add3A_400 = arith.constant 30 : i32
      %add3A_401 = vector.broadcast %add3A_400 : i32 to vector<16xi32>
      %add3A_402 = arith.addi %mul3A_100, %add3A_401 : vector<16xi32>
      %gather3A_403 = tpu.vector_load_idx %arg8[%add3A_92, %add3A_402] : memref<512x128xf32, #tpu.memory_space<vmem>>[vector<16xi32>, vector<16xi32>], vector<16xf32>,
      %mul3A_404 = arith.constant 0 : i32
      %mul3A_405 = vector.broadcast %mul3A_404 : i32 to vector<16xi32>
      %mul3A_406 = arith.muli %iota3A, %mul3A_405 : vector<16xi32>
      %add3A_407 = arith.constant 30 : i32
      %add3A_408 = vector.broadcast %add3A_407 : i32 to vector<16xi32>
      %add3A_409 = arith.addi %mul3A_406, %add3A_408 : vector<16xi32>
      tpu.vector_store_idx %arg9[%add3A_92, %add3A_409], %gather3A_403 : memref<512x64xf32, #tpu.memory_space<vmem>>[vector<16xi32>, vector<16xi32>], vector<16xf32>,
      %add3A_410 = arith.constant 31 : i32
      %add3A_411 = vector.broadcast %add3A_410 : i32 to vector<16xi32>
      %add3A_412 = arith.addi %mul3A_100, %add3A_411 : vector<16xi32>
      %gather3A_413 = tpu.vector_load_idx %arg8[%add3A_92, %add3A_412] : memref<512x128xf32, #tpu.memory_space<vmem>>[vector<16xi32>, vector<16xi32>], vector<16xf32>,
      %mul3A_414 = arith.constant 0 : i32
      %mul3A_415 = vector.broadcast %mul3A_414 : i32 to vector<16xi32>
      %mul3A_416 = arith.muli %iota3A, %mul3A_415 : vector<16xi32>
      %add3A_417 = arith.constant 31 : i32
      %add3A_418 = vector.broadcast %add3A_417 : i32 to vector<16xi32>
      %add3A_419 = arith.addi %mul3A_416, %add3A_418 : vector<16xi32>
      tpu.vector_store_idx %arg9[%add3A_92, %add3A_419], %gather3A_413 : memref<512x64xf32, #tpu.memory_space<vmem>>[vector<16xi32>, vector<16xi32>], vector<16xf32>,
      %add3A_420 = arith.constant 32 : i32
      %add3A_421 = vector.broadcast %add3A_420 : i32 to vector<16xi32>
      %add3A_422 = arith.addi %mul3A_100, %add3A_421 : vector<16xi32>
      %gather3A_423 = tpu.vector_load_idx %arg8[%add3A_92, %add3A_422] : memref<512x128xf32, #tpu.memory_space<vmem>>[vector<16xi32>, vector<16xi32>], vector<16xf32>,
      %mul3A_424 = arith.constant 0 : i32
      %mul3A_425 = vector.broadcast %mul3A_424 : i32 to vector<16xi32>
      %mul3A_426 = arith.muli %iota3A, %mul3A_425 : vector<16xi32>
      %add3A_427 = arith.constant 32 : i32
      %add3A_428 = vector.broadcast %add3A_427 : i32 to vector<16xi32>
      %add3A_429 = arith.addi %mul3A_426, %add3A_428 : vector<16xi32>
      tpu.vector_store_idx %arg9[%add3A_92, %add3A_429], %gather3A_423 : memref<512x64xf32, #tpu.memory_space<vmem>>[vector<16xi32>, vector<16xi32>], vector<16xf32>,
      %add3A_430 = arith.constant 33 : i32
      %add3A_431 = vector.broadcast %add3A_430 : i32 to vector<16xi32>
      %add3A_432 = arith.addi %mul3A_100, %add3A_431 : vector<16xi32>
      %gather3A_433 = tpu.vector_load_idx %arg8[%add3A_92, %add3A_432] : memref<512x128xf32, #tpu.memory_space<vmem>>[vector<16xi32>, vector<16xi32>], vector<16xf32>,
      %mul3A_434 = arith.constant 0 : i32
      %mul3A_435 = vector.broadcast %mul3A_434 : i32 to vector<16xi32>
      %mul3A_436 = arith.muli %iota3A, %mul3A_435 : vector<16xi32>
      %add3A_437 = arith.constant 33 : i32
      %add3A_438 = vector.broadcast %add3A_437 : i32 to vector<16xi32>
      %add3A_439 = arith.addi %mul3A_436, %add3A_438 : vector<16xi32>
      tpu.vector_store_idx %arg9[%add3A_92, %add3A_439], %gather3A_433 : memref<512x64xf32, #tpu.memory_space<vmem>>[vector<16xi32>, vector<16xi32>], vector<16xf32>,
      %add3A_440 = arith.constant 34 : i32
      %add3A_441 = vector.broadcast %add3A_440 : i32 to vector<16xi32>
      %add3A_442 = arith.addi %mul3A_100, %add3A_441 : vector<16xi32>
      %gather3A_443 = tpu.vector_load_idx %arg8[%add3A_92, %add3A_442] : memref<512x128xf32, #tpu.memory_space<vmem>>[vector<16xi32>, vector<16xi32>], vector<16xf32>,
      %mul3A_444 = arith.constant 0 : i32
      %mul3A_445 = vector.broadcast %mul3A_444 : i32 to vector<16xi32>
      %mul3A_446 = arith.muli %iota3A, %mul3A_445 : vector<16xi32>
      %add3A_447 = arith.constant 34 : i32
      %add3A_448 = vector.broadcast %add3A_447 : i32 to vector<16xi32>
      %add3A_449 = arith.addi %mul3A_446, %add3A_448 : vector<16xi32>
      tpu.vector_store_idx %arg9[%add3A_92, %add3A_449], %gather3A_443 : memref<512x64xf32, #tpu.memory_space<vmem>>[vector<16xi32>, vector<16xi32>], vector<16xf32>,
      %add3A_450 = arith.constant 35 : i32
      %add3A_451 = vector.broadcast %add3A_450 : i32 to vector<16xi32>
      %add3A_452 = arith.addi %mul3A_100, %add3A_451 : vector<16xi32>
      %gather3A_453 = tpu.vector_load_idx %arg8[%add3A_92, %add3A_452] : memref<512x128xf32, #tpu.memory_space<vmem>>[vector<16xi32>, vector<16xi32>], vector<16xf32>,
      %mul3A_454 = arith.constant 0 : i32
      %mul3A_455 = vector.broadcast %mul3A_454 : i32 to vector<16xi32>
      %mul3A_456 = arith.muli %iota3A, %mul3A_455 : vector<16xi32>
      %add3A_457 = arith.constant 35 : i32
      %add3A_458 = vector.broadcast %add3A_457 : i32 to vector<16xi32>
      %add3A_459 = arith.addi %mul3A_456, %add3A_458 : vector<16xi32>
      tpu.vector_store_idx %arg9[%add3A_92, %add3A_459], %gather3A_453 : memref<512x64xf32, #tpu.memory_space<vmem>>[vector<16xi32>, vector<16xi32>], vector<16xf32>,
      %add3A_460 = arith.constant 36 : i32
      %add3A_461 = vector.broadcast %add3A_460 : i32 to vector<16xi32>
      %add3A_462 = arith.addi %mul3A_100, %add3A_461 : vector<16xi32>
      %gather3A_463 = tpu.vector_load_idx %arg8[%add3A_92, %add3A_462] : memref<512x128xf32, #tpu.memory_space<vmem>>[vector<16xi32>, vector<16xi32>], vector<16xf32>,
      %mul3A_464 = arith.constant 0 : i32
      %mul3A_465 = vector.broadcast %mul3A_464 : i32 to vector<16xi32>
      %mul3A_466 = arith.muli %iota3A, %mul3A_465 : vector<16xi32>
      %add3A_467 = arith.constant 36 : i32
      %add3A_468 = vector.broadcast %add3A_467 : i32 to vector<16xi32>
      %add3A_469 = arith.addi %mul3A_466, %add3A_468 : vector<16xi32>
      tpu.vector_store_idx %arg9[%add3A_92, %add3A_469], %gather3A_463 : memref<512x64xf32, #tpu.memory_space<vmem>>[vector<16xi32>, vector<16xi32>], vector<16xf32>,
      %add3A_470 = arith.constant 37 : i32
      %add3A_471 = vector.broadcast %add3A_470 : i32 to vector<16xi32>
      %add3A_472 = arith.addi %mul3A_100, %add3A_471 : vector<16xi32>
      %gather3A_473 = tpu.vector_load_idx %arg8[%add3A_92, %add3A_472] : memref<512x128xf32, #tpu.memory_space<vmem>>[vector<16xi32>, vector<16xi32>], vector<16xf32>,
      %mul3A_474 = arith.constant 0 : i32
      %mul3A_475 = vector.broadcast %mul3A_474 : i32 to vector<16xi32>
      %mul3A_476 = arith.muli %iota3A, %mul3A_475 : vector<16xi32>
      %add3A_477 = arith.constant 37 : i32
      %add3A_478 = vector.broadcast %add3A_477 : i32 to vector<16xi32>
      %add3A_479 = arith.addi %mul3A_476, %add3A_478 : vector<16xi32>
      tpu.vector_store_idx %arg9[%add3A_92, %add3A_479], %gather3A_473 : memref<512x64xf32, #tpu.memory_space<vmem>>[vector<16xi32>, vector<16xi32>], vector<16xf32>,
      %add3A_480 = arith.constant 38 : i32
      %add3A_481 = vector.broadcast %add3A_480 : i32 to vector<16xi32>
      %add3A_482 = arith.addi %mul3A_100, %add3A_481 : vector<16xi32>
      %gather3A_483 = tpu.vector_load_idx %arg8[%add3A_92, %add3A_482] : memref<512x128xf32, #tpu.memory_space<vmem>>[vector<16xi32>, vector<16xi32>], vector<16xf32>,
      %mul3A_484 = arith.constant 0 : i32
      %mul3A_485 = vector.broadcast %mul3A_484 : i32 to vector<16xi32>
      %mul3A_486 = arith.muli %iota3A, %mul3A_485 : vector<16xi32>
      %add3A_487 = arith.constant 38 : i32
      %add3A_488 = vector.broadcast %add3A_487 : i32 to vector<16xi32>
      %add3A_489 = arith.addi %mul3A_486, %add3A_488 : vector<16xi32>
      tpu.vector_store_idx %arg9[%add3A_92, %add3A_489], %gather3A_483 : memref<512x64xf32, #tpu.memory_space<vmem>>[vector<16xi32>, vector<16xi32>], vector<16xf32>,
      %add3A_490 = arith.constant 39 : i32
      %add3A_491 = vector.broadcast %add3A_490 : i32 to vector<16xi32>
      %add3A_492 = arith.addi %mul3A_100, %add3A_491 : vector<16xi32>
      %gather3A_493 = tpu.vector_load_idx %arg8[%add3A_92, %add3A_492] : memref<512x128xf32, #tpu.memory_space<vmem>>[vector<16xi32>, vector<16xi32>], vector<16xf32>,
      %mul3A_494 = arith.constant 0 : i32
      %mul3A_495 = vector.broadcast %mul3A_494 : i32 to vector<16xi32>
      %mul3A_496 = arith.muli %iota3A, %mul3A_495 : vector<16xi32>
      %add3A_497 = arith.constant 39 : i32
      %add3A_498 = vector.broadcast %add3A_497 : i32 to vector<16xi32>
      %add3A_499 = arith.addi %mul3A_496, %add3A_498 : vector<16xi32>
      tpu.vector_store_idx %arg9[%add3A_92, %add3A_499], %gather3A_493 : memref<512x64xf32, #tpu.memory_space<vmem>>[vector<16xi32>, vector<16xi32>], vector<16xf32>,
      %add3A_500 = arith.constant 40 : i32
      %add3A_501 = vector.broadcast %add3A_500 : i32 to vector<16xi32>
      %add3A_502 = arith.addi %mul3A_100, %add3A_501 : vector<16xi32>
      %gather3A_503 = tpu.vector_load_idx %arg8[%add3A_92, %add3A_502] : memref<512x128xf32, #tpu.memory_space<vmem>>[vector<16xi32>, vector<16xi32>], vector<16xf32>,
      %mul3A_504 = arith.constant 0 : i32
      %mul3A_505 = vector.broadcast %mul3A_504 : i32 to vector<16xi32>
      %mul3A_506 = arith.muli %iota3A, %mul3A_505 : vector<16xi32>
      %add3A_507 = arith.constant 40 : i32
      %add3A_508 = vector.broadcast %add3A_507 : i32 to vector<16xi32>
      %add3A_509 = arith.addi %mul3A_506, %add3A_508 : vector<16xi32>
      tpu.vector_store_idx %arg9[%add3A_92, %add3A_509], %gather3A_503 : memref<512x64xf32, #tpu.memory_space<vmem>>[vector<16xi32>, vector<16xi32>], vector<16xf32>,
      %add3A_510 = arith.constant 41 : i32
      %add3A_511 = vector.broadcast %add3A_510 : i32 to vector<16xi32>
      %add3A_512 = arith.addi %mul3A_100, %add3A_511 : vector<16xi32>
      %gather3A_513 = tpu.vector_load_idx %arg8[%add3A_92, %add3A_512] : memref<512x128xf32, #tpu.memory_space<vmem>>[vector<16xi32>, vector<16xi32>], vector<16xf32>,
      %mul3A_514 = arith.constant 0 : i32
      %mul3A_515 = vector.broadcast %mul3A_514 : i32 to vector<16xi32>
      %mul3A_516 = arith.muli %iota3A, %mul3A_515 : vector<16xi32>
      %add3A_517 = arith.constant 41 : i32
      %add3A_518 = vector.broadcast %add3A_517 : i32 to vector<16xi32>
      %add3A_519 = arith.addi %mul3A_516, %add3A_518 : vector<16xi32>
      tpu.vector_store_idx %arg9[%add3A_92, %add3A_519], %gather3A_513 : memref<512x64xf32, #tpu.memory_space<vmem>>[vector<16xi32>, vector<16xi32>], vector<16xf32>,
      %add3A_520 = arith.constant 42 : i32
      %add3A_521 = vector.broadcast %add3A_520 : i32 to vector<16xi32>
      %add3A_522 = arith.addi %mul3A_100, %add3A_521 : vector<16xi32>
      %gather3A_523 = tpu.vector_load_idx %arg8[%add3A_92, %add3A_522] : memref<512x128xf32, #tpu.memory_space<vmem>>[vector<16xi32>, vector<16xi32>], vector<16xf32>,
      %mul3A_524 = arith.constant 0 : i32
      %mul3A_525 = vector.broadcast %mul3A_524 : i32 to vector<16xi32>
      %mul3A_526 = arith.muli %iota3A, %mul3A_525 : vector<16xi32>
      %add3A_527 = arith.constant 42 : i32
      %add3A_528 = vector.broadcast %add3A_527 : i32 to vector<16xi32>
      %add3A_529 = arith.addi %mul3A_526, %add3A_528 : vector<16xi32>
      tpu.vector_store_idx %arg9[%add3A_92, %add3A_529], %gather3A_523 : memref<512x64xf32, #tpu.memory_space<vmem>>[vector<16xi32>, vector<16xi32>], vector<16xf32>,
      %add3A_530 = arith.constant 43 : i32
      %add3A_531 = vector.broadcast %add3A_530 : i32 to vector<16xi32>
      %add3A_532 = arith.addi %mul3A_100, %add3A_531 : vector<16xi32>
      %gather3A_533 = tpu.vector_load_idx %arg8[%add3A_92, %add3A_532] : memref<512x128xf32, #tpu.memory_space<vmem>>[vector<16xi32>, vector<16xi32>], vector<16xf32>,
      %mul3A_534 = arith.constant 0 : i32
      %mul3A_535 = vector.broadcast %mul3A_534 : i32 to vector<16xi32>
      %mul3A_536 = arith.muli %iota3A, %mul3A_535 : vector<16xi32>
      %add3A_537 = arith.constant 43 : i32
      %add3A_538 = vector.broadcast %add3A_537 : i32 to vector<16xi32>
      %add3A_539 = arith.addi %mul3A_536, %add3A_538 : vector<16xi32>
      tpu.vector_store_idx %arg9[%add3A_92, %add3A_539], %gather3A_533 : memref<512x64xf32, #tpu.memory_space<vmem>>[vector<16xi32>, vector<16xi32>], vector<16xf32>,
      %add3A_540 = arith.constant 44 : i32
      %add3A_541 = vector.broadcast %add3A_540 : i32 to vector<16xi32>
      %add3A_542 = arith.addi %mul3A_100, %add3A_541 : vector<16xi32>
      %gather3A_543 = tpu.vector_load_idx %arg8[%add3A_92, %add3A_542] : memref<512x128xf32, #tpu.memory_space<vmem>>[vector<16xi32>, vector<16xi32>], vector<16xf32>,
      %mul3A_544 = arith.constant 0 : i32
      %mul3A_545 = vector.broadcast %mul3A_544 : i32 to vector<16xi32>
      %mul3A_546 = arith.muli %iota3A, %mul3A_545 : vector<16xi32>
      %add3A_547 = arith.constant 44 : i32
      %add3A_548 = vector.broadcast %add3A_547 : i32 to vector<16xi32>
      %add3A_549 = arith.addi %mul3A_546, %add3A_548 : vector<16xi32>
      tpu.vector_store_idx %arg9[%add3A_92, %add3A_549], %gather3A_543 : memref<512x64xf32, #tpu.memory_space<vmem>>[vector<16xi32>, vector<16xi32>], vector<16xf32>,
      %add3A_550 = arith.constant 45 : i32
      %add3A_551 = vector.broadcast %add3A_550 : i32 to vector<16xi32>
      %add3A_552 = arith.addi %mul3A_100, %add3A_551 : vector<16xi32>
      %gather3A_553 = tpu.vector_load_idx %arg8[%add3A_92, %add3A_552] : memref<512x128xf32, #tpu.memory_space<vmem>>[vector<16xi32>, vector<16xi32>], vector<16xf32>,
      %mul3A_554 = arith.constant 0 : i32
      %mul3A_555 = vector.broadcast %mul3A_554 : i32 to vector<16xi32>
      %mul3A_556 = arith.muli %iota3A, %mul3A_555 : vector<16xi32>
      %add3A_557 = arith.constant 45 : i32
      %add3A_558 = vector.broadcast %add3A_557 : i32 to vector<16xi32>
      %add3A_559 = arith.addi %mul3A_556, %add3A_558 : vector<16xi32>
      tpu.vector_store_idx %arg9[%add3A_92, %add3A_559], %gather3A_553 : memref<512x64xf32, #tpu.memory_space<vmem>>[vector<16xi32>, vector<16xi32>], vector<16xf32>,
      %add3A_560 = arith.constant 46 : i32
      %add3A_561 = vector.broadcast %add3A_560 : i32 to vector<16xi32>
      %add3A_562 = arith.addi %mul3A_100, %add3A_561 : vector<16xi32>
      %gather3A_563 = tpu.vector_load_idx %arg8[%add3A_92, %add3A_562] : memref<512x128xf32, #tpu.memory_space<vmem>>[vector<16xi32>, vector<16xi32>], vector<16xf32>,
      %mul3A_564 = arith.constant 0 : i32
      %mul3A_565 = vector.broadcast %mul3A_564 : i32 to vector<16xi32>
      %mul3A_566 = arith.muli %iota3A, %mul3A_565 : vector<16xi32>
      %add3A_567 = arith.constant 46 : i32
      %add3A_568 = vector.broadcast %add3A_567 : i32 to vector<16xi32>
      %add3A_569 = arith.addi %mul3A_566, %add3A_568 : vector<16xi32>
      tpu.vector_store_idx %arg9[%add3A_92, %add3A_569], %gather3A_563 : memref<512x64xf32, #tpu.memory_space<vmem>>[vector<16xi32>, vector<16xi32>], vector<16xf32>,
      %add3A_570 = arith.constant 47 : i32
      %add3A_571 = vector.broadcast %add3A_570 : i32 to vector<16xi32>
      %add3A_572 = arith.addi %mul3A_100, %add3A_571 : vector<16xi32>
      %gather3A_573 = tpu.vector_load_idx %arg8[%add3A_92, %add3A_572] : memref<512x128xf32, #tpu.memory_space<vmem>>[vector<16xi32>, vector<16xi32>], vector<16xf32>,
      %mul3A_574 = arith.constant 0 : i32
      %mul3A_575 = vector.broadcast %mul3A_574 : i32 to vector<16xi32>
      %mul3A_576 = arith.muli %iota3A, %mul3A_575 : vector<16xi32>
      %add3A_577 = arith.constant 47 : i32
      %add3A_578 = vector.broadcast %add3A_577 : i32 to vector<16xi32>
      %add3A_579 = arith.addi %mul3A_576, %add3A_578 : vector<16xi32>
      tpu.vector_store_idx %arg9[%add3A_92, %add3A_579], %gather3A_573 : memref<512x64xf32, #tpu.memory_space<vmem>>[vector<16xi32>, vector<16xi32>], vector<16xf32>,
      %add3A_580 = arith.constant 48 : i32
      %add3A_581 = vector.broadcast %add3A_580 : i32 to vector<16xi32>
      %add3A_582 = arith.addi %mul3A_100, %add3A_581 : vector<16xi32>
      %gather3A_583 = tpu.vector_load_idx %arg8[%add3A_92, %add3A_582] : memref<512x128xf32, #tpu.memory_space<vmem>>[vector<16xi32>, vector<16xi32>], vector<16xf32>,
      %mul3A_584 = arith.constant 0 : i32
      %mul3A_585 = vector.broadcast %mul3A_584 : i32 to vector<16xi32>
      %mul3A_586 = arith.muli %iota3A, %mul3A_585 : vector<16xi32>
      %add3A_587 = arith.constant 48 : i32
      %add3A_588 = vector.broadcast %add3A_587 : i32 to vector<16xi32>
      %add3A_589 = arith.addi %mul3A_586, %add3A_588 : vector<16xi32>
      tpu.vector_store_idx %arg9[%add3A_92, %add3A_589], %gather3A_583 : memref<512x64xf32, #tpu.memory_space<vmem>>[vector<16xi32>, vector<16xi32>], vector<16xf32>,
      %add3A_590 = arith.constant 49 : i32
      %add3A_591 = vector.broadcast %add3A_590 : i32 to vector<16xi32>
      %add3A_592 = arith.addi %mul3A_100, %add3A_591 : vector<16xi32>
      %gather3A_593 = tpu.vector_load_idx %arg8[%add3A_92, %add3A_592] : memref<512x128xf32, #tpu.memory_space<vmem>>[vector<16xi32>, vector<16xi32>], vector<16xf32>,
      %mul3A_594 = arith.constant 0 : i32
      %mul3A_595 = vector.broadcast %mul3A_594 : i32 to vector<16xi32>
      %mul3A_596 = arith.muli %iota3A, %mul3A_595 : vector<16xi32>
      %add3A_597 = arith.constant 49 : i32
      %add3A_598 = vector.broadcast %add3A_597 : i32 to vector<16xi32>
      %add3A_599 = arith.addi %mul3A_596, %add3A_598 : vector<16xi32>
      tpu.vector_store_idx %arg9[%add3A_92, %add3A_599], %gather3A_593 : memref<512x64xf32, #tpu.memory_space<vmem>>[vector<16xi32>, vector<16xi32>], vector<16xf32>,
      %add3A_600 = arith.constant 50 : i32
      %add3A_601 = vector.broadcast %add3A_600 : i32 to vector<16xi32>
      %add3A_602 = arith.addi %mul3A_100, %add3A_601 : vector<16xi32>
      %gather3A_603 = tpu.vector_load_idx %arg8[%add3A_92, %add3A_602] : memref<512x128xf32, #tpu.memory_space<vmem>>[vector<16xi32>, vector<16xi32>], vector<16xf32>,
      %mul3A_604 = arith.constant 0 : i32
      %mul3A_605 = vector.broadcast %mul3A_604 : i32 to vector<16xi32>
      %mul3A_606 = arith.muli %iota3A, %mul3A_605 : vector<16xi32>
      %add3A_607 = arith.constant 50 : i32
      %add3A_608 = vector.broadcast %add3A_607 : i32 to vector<16xi32>
      %add3A_609 = arith.addi %mul3A_606, %add3A_608 : vector<16xi32>
      tpu.vector_store_idx %arg9[%add3A_92, %add3A_609], %gather3A_603 : memref<512x64xf32, #tpu.memory_space<vmem>>[vector<16xi32>, vector<16xi32>], vector<16xf32>,
      %add3A_610 = arith.constant 51 : i32
      %add3A_611 = vector.broadcast %add3A_610 : i32 to vector<16xi32>
      %add3A_612 = arith.addi %mul3A_100, %add3A_611 : vector<16xi32>
      %gather3A_613 = tpu.vector_load_idx %arg8[%add3A_92, %add3A_612] : memref<512x128xf32, #tpu.memory_space<vmem>>[vector<16xi32>, vector<16xi32>], vector<16xf32>,
      %mul3A_614 = arith.constant 0 : i32
      %mul3A_615 = vector.broadcast %mul3A_614 : i32 to vector<16xi32>
      %mul3A_616 = arith.muli %iota3A, %mul3A_615 : vector<16xi32>
      %add3A_617 = arith.constant 51 : i32
      %add3A_618 = vector.broadcast %add3A_617 : i32 to vector<16xi32>
      %add3A_619 = arith.addi %mul3A_616, %add3A_618 : vector<16xi32>
      tpu.vector_store_idx %arg9[%add3A_92, %add3A_619], %gather3A_613 : memref<512x64xf32, #tpu.memory_space<vmem>>[vector<16xi32>, vector<16xi32>], vector<16xf32>,
      %add3A_620 = arith.constant 52 : i32
      %add3A_621 = vector.broadcast %add3A_620 : i32 to vector<16xi32>
      %add3A_622 = arith.addi %mul3A_100, %add3A_621 : vector<16xi32>
      %gather3A_623 = tpu.vector_load_idx %arg8[%add3A_92, %add3A_622] : memref<512x128xf32, #tpu.memory_space<vmem>>[vector<16xi32>, vector<16xi32>], vector<16xf32>,
      %mul3A_624 = arith.constant 0 : i32
      %mul3A_625 = vector.broadcast %mul3A_624 : i32 to vector<16xi32>
      %mul3A_626 = arith.muli %iota3A, %mul3A_625 : vector<16xi32>
      %add3A_627 = arith.constant 52 : i32
      %add3A_628 = vector.broadcast %add3A_627 : i32 to vector<16xi32>
      %add3A_629 = arith.addi %mul3A_626, %add3A_628 : vector<16xi32>
      tpu.vector_store_idx %arg9[%add3A_92, %add3A_629], %gather3A_623 : memref<512x64xf32, #tpu.memory_space<vmem>>[vector<16xi32>, vector<16xi32>], vector<16xf32>,
      %add3A_630 = arith.constant 53 : i32
      %add3A_631 = vector.broadcast %add3A_630 : i32 to vector<16xi32>
      %add3A_632 = arith.addi %mul3A_100, %add3A_631 : vector<16xi32>
      %gather3A_633 = tpu.vector_load_idx %arg8[%add3A_92, %add3A_632] : memref<512x128xf32, #tpu.memory_space<vmem>>[vector<16xi32>, vector<16xi32>], vector<16xf32>,
      %mul3A_634 = arith.constant 0 : i32
      %mul3A_635 = vector.broadcast %mul3A_634 : i32 to vector<16xi32>
      %mul3A_636 = arith.muli %iota3A, %mul3A_635 : vector<16xi32>
      %add3A_637 = arith.constant 53 : i32
      %add3A_638 = vector.broadcast %add3A_637 : i32 to vector<16xi32>
      %add3A_639 = arith.addi %mul3A_636, %add3A_638 : vector<16xi32>
      tpu.vector_store_idx %arg9[%add3A_92, %add3A_639], %gather3A_633 : memref<512x64xf32, #tpu.memory_space<vmem>>[vector<16xi32>, vector<16xi32>], vector<16xf32>,
      %add3A_640 = arith.constant 54 : i32
      %add3A_641 = vector.broadcast %add3A_640 : i32 to vector<16xi32>
      %add3A_642 = arith.addi %mul3A_100, %add3A_641 : vector<16xi32>
      %gather3A_643 = tpu.vector_load_idx %arg8[%add3A_92, %add3A_642] : memref<512x128xf32, #tpu.memory_space<vmem>>[vector<16xi32>, vector<16xi32>], vector<16xf32>,
      %mul3A_644 = arith.constant 0 : i32
      %mul3A_645 = vector.broadcast %mul3A_644 : i32 to vector<16xi32>
      %mul3A_646 = arith.muli %iota3A, %mul3A_645 : vector<16xi32>
      %add3A_647 = arith.constant 54 : i32
      %add3A_648 = vector.broadcast %add3A_647 : i32 to vector<16xi32>
      %add3A_649 = arith.addi %mul3A_646, %add3A_648 : vector<16xi32>
      tpu.vector_store_idx %arg9[%add3A_92, %add3A_649], %gather3A_643 : memref<512x64xf32, #tpu.memory_space<vmem>>[vector<16xi32>, vector<16xi32>], vector<16xf32>,
      %add3A_650 = arith.constant 55 : i32
      %add3A_651 = vector.broadcast %add3A_650 : i32 to vector<16xi32>
      %add3A_652 = arith.addi %mul3A_100, %add3A_651 : vector<16xi32>
      %gather3A_653 = tpu.vector_load_idx %arg8[%add3A_92, %add3A_652] : memref<512x128xf32, #tpu.memory_space<vmem>>[vector<16xi32>, vector<16xi32>], vector<16xf32>,
      %mul3A_654 = arith.constant 0 : i32
      %mul3A_655 = vector.broadcast %mul3A_654 : i32 to vector<16xi32>
      %mul3A_656 = arith.muli %iota3A, %mul3A_655 : vector<16xi32>
      %add3A_657 = arith.constant 55 : i32
      %add3A_658 = vector.broadcast %add3A_657 : i32 to vector<16xi32>
      %add3A_659 = arith.addi %mul3A_656, %add3A_658 : vector<16xi32>
      tpu.vector_store_idx %arg9[%add3A_92, %add3A_659], %gather3A_653 : memref<512x64xf32, #tpu.memory_space<vmem>>[vector<16xi32>, vector<16xi32>], vector<16xf32>,
      %add3A_660 = arith.constant 56 : i32
      %add3A_661 = vector.broadcast %add3A_660 : i32 to vector<16xi32>
      %add3A_662 = arith.addi %mul3A_100, %add3A_661 : vector<16xi32>
      %gather3A_663 = tpu.vector_load_idx %arg8[%add3A_92, %add3A_662] : memref<512x128xf32, #tpu.memory_space<vmem>>[vector<16xi32>, vector<16xi32>], vector<16xf32>,
      %mul3A_664 = arith.constant 0 : i32
      %mul3A_665 = vector.broadcast %mul3A_664 : i32 to vector<16xi32>
      %mul3A_666 = arith.muli %iota3A, %mul3A_665 : vector<16xi32>
      %add3A_667 = arith.constant 56 : i32
      %add3A_668 = vector.broadcast %add3A_667 : i32 to vector<16xi32>
      %add3A_669 = arith.addi %mul3A_666, %add3A_668 : vector<16xi32>
      tpu.vector_store_idx %arg9[%add3A_92, %add3A_669], %gather3A_663 : memref<512x64xf32, #tpu.memory_space<vmem>>[vector<16xi32>, vector<16xi32>], vector<16xf32>,
      %add3A_670 = arith.constant 57 : i32
      %add3A_671 = vector.broadcast %add3A_670 : i32 to vector<16xi32>
      %add3A_672 = arith.addi %mul3A_100, %add3A_671 : vector<16xi32>
      %gather3A_673 = tpu.vector_load_idx %arg8[%add3A_92, %add3A_672] : memref<512x128xf32, #tpu.memory_space<vmem>>[vector<16xi32>, vector<16xi32>], vector<16xf32>,
      %mul3A_674 = arith.constant 0 : i32
      %mul3A_675 = vector.broadcast %mul3A_674 : i32 to vector<16xi32>
      %mul3A_676 = arith.muli %iota3A, %mul3A_675 : vector<16xi32>
      %add3A_677 = arith.constant 57 : i32
      %add3A_678 = vector.broadcast %add3A_677 : i32 to vector<16xi32>
      %add3A_679 = arith.addi %mul3A_676, %add3A_678 : vector<16xi32>
      tpu.vector_store_idx %arg9[%add3A_92, %add3A_679], %gather3A_673 : memref<512x64xf32, #tpu.memory_space<vmem>>[vector<16xi32>, vector<16xi32>], vector<16xf32>,
      %add3A_680 = arith.constant 58 : i32
      %add3A_681 = vector.broadcast %add3A_680 : i32 to vector<16xi32>
      %add3A_682 = arith.addi %mul3A_100, %add3A_681 : vector<16xi32>
      %gather3A_683 = tpu.vector_load_idx %arg8[%add3A_92, %add3A_682] : memref<512x128xf32, #tpu.memory_space<vmem>>[vector<16xi32>, vector<16xi32>], vector<16xf32>,
      %mul3A_684 = arith.constant 0 : i32
      %mul3A_685 = vector.broadcast %mul3A_684 : i32 to vector<16xi32>
      %mul3A_686 = arith.muli %iota3A, %mul3A_685 : vector<16xi32>
      %add3A_687 = arith.constant 58 : i32
      %add3A_688 = vector.broadcast %add3A_687 : i32 to vector<16xi32>
      %add3A_689 = arith.addi %mul3A_686, %add3A_688 : vector<16xi32>
      tpu.vector_store_idx %arg9[%add3A_92, %add3A_689], %gather3A_683 : memref<512x64xf32, #tpu.memory_space<vmem>>[vector<16xi32>, vector<16xi32>], vector<16xf32>,
      %add3A_690 = arith.constant 59 : i32
      %add3A_691 = vector.broadcast %add3A_690 : i32 to vector<16xi32>
      %add3A_692 = arith.addi %mul3A_100, %add3A_691 : vector<16xi32>
      %gather3A_693 = tpu.vector_load_idx %arg8[%add3A_92, %add3A_692] : memref<512x128xf32, #tpu.memory_space<vmem>>[vector<16xi32>, vector<16xi32>], vector<16xf32>,
      %mul3A_694 = arith.constant 0 : i32
      %mul3A_695 = vector.broadcast %mul3A_694 : i32 to vector<16xi32>
      %mul3A_696 = arith.muli %iota3A, %mul3A_695 : vector<16xi32>
      %add3A_697 = arith.constant 59 : i32
      %add3A_698 = vector.broadcast %add3A_697 : i32 to vector<16xi32>
      %add3A_699 = arith.addi %mul3A_696, %add3A_698 : vector<16xi32>
      tpu.vector_store_idx %arg9[%add3A_92, %add3A_699], %gather3A_693 : memref<512x64xf32, #tpu.memory_space<vmem>>[vector<16xi32>, vector<16xi32>], vector<16xf32>,
      %add3A_700 = arith.constant 60 : i32
      %add3A_701 = vector.broadcast %add3A_700 : i32 to vector<16xi32>
      %add3A_702 = arith.addi %mul3A_100, %add3A_701 : vector<16xi32>
      %gather3A_703 = tpu.vector_load_idx %arg8[%add3A_92, %add3A_702] : memref<512x128xf32, #tpu.memory_space<vmem>>[vector<16xi32>, vector<16xi32>], vector<16xf32>,
      %mul3A_704 = arith.constant 0 : i32
      %mul3A_705 = vector.broadcast %mul3A_704 : i32 to vector<16xi32>
      %mul3A_706 = arith.muli %iota3A, %mul3A_705 : vector<16xi32>
      %add3A_707 = arith.constant 60 : i32
      %add3A_708 = vector.broadcast %add3A_707 : i32 to vector<16xi32>
      %add3A_709 = arith.addi %mul3A_706, %add3A_708 : vector<16xi32>
      tpu.vector_store_idx %arg9[%add3A_92, %add3A_709], %gather3A_703 : memref<512x64xf32, #tpu.memory_space<vmem>>[vector<16xi32>, vector<16xi32>], vector<16xf32>,
      %add3A_710 = arith.constant 61 : i32
      %add3A_711 = vector.broadcast %add3A_710 : i32 to vector<16xi32>
      %add3A_712 = arith.addi %mul3A_100, %add3A_711 : vector<16xi32>
      %gather3A_713 = tpu.vector_load_idx %arg8[%add3A_92, %add3A_712] : memref<512x128xf32, #tpu.memory_space<vmem>>[vector<16xi32>, vector<16xi32>], vector<16xf32>,
      %mul3A_714 = arith.constant 0 : i32
      %mul3A_715 = vector.broadcast %mul3A_714 : i32 to vector<16xi32>
      %mul3A_716 = arith.muli %iota3A, %mul3A_715 : vector<16xi32>
      %add3A_717 = arith.constant 61 : i32
      %add3A_718 = vector.broadcast %add3A_717 : i32 to vector<16xi32>
      %add3A_719 = arith.addi %mul3A_716, %add3A_718 : vector<16xi32>
      tpu.vector_store_idx %arg9[%add3A_92, %add3A_719], %gather3A_713 : memref<512x64xf32, #tpu.memory_space<vmem>>[vector<16xi32>, vector<16xi32>], vector<16xf32>,
      %add3A_720 = arith.constant 62 : i32
      %add3A_721 = vector.broadcast %add3A_720 : i32 to vector<16xi32>
      %add3A_722 = arith.addi %mul3A_100, %add3A_721 : vector<16xi32>
      %gather3A_723 = tpu.vector_load_idx %arg8[%add3A_92, %add3A_722] : memref<512x128xf32, #tpu.memory_space<vmem>>[vector<16xi32>, vector<16xi32>], vector<16xf32>,
      %mul3A_724 = arith.constant 0 : i32
      %mul3A_725 = vector.broadcast %mul3A_724 : i32 to vector<16xi32>
      %mul3A_726 = arith.muli %iota3A, %mul3A_725 : vector<16xi32>
      %add3A_727 = arith.constant 62 : i32
      %add3A_728 = vector.broadcast %add3A_727 : i32 to vector<16xi32>
      %add3A_729 = arith.addi %mul3A_726, %add3A_728 : vector<16xi32>
      tpu.vector_store_idx %arg9[%add3A_92, %add3A_729], %gather3A_723 : memref<512x64xf32, #tpu.memory_space<vmem>>[vector<16xi32>, vector<16xi32>], vector<16xf32>,
      %add3A_730 = arith.constant 63 : i32
      %add3A_731 = vector.broadcast %add3A_730 : i32 to vector<16xi32>
      %add3A_732 = arith.addi %mul3A_100, %add3A_731 : vector<16xi32>
      %gather3A_733 = tpu.vector_load_idx %arg8[%add3A_92, %add3A_732] : memref<512x128xf32, #tpu.memory_space<vmem>>[vector<16xi32>, vector<16xi32>], vector<16xf32>,
      %mul3A_734 = arith.constant 0 : i32
      %mul3A_735 = vector.broadcast %mul3A_734 : i32 to vector<16xi32>
      %mul3A_736 = arith.muli %iota3A, %mul3A_735 : vector<16xi32>
      %add3A_737 = arith.constant 63 : i32
      %add3A_738 = vector.broadcast %add3A_737 : i32 to vector<16xi32>
      %add3A_739 = arith.addi %mul3A_736, %add3A_738 : vector<16xi32>
      tpu.vector_store_idx %arg9[%add3A_92, %add3A_739], %gather3A_733 : memref<512x64xf32, #tpu.memory_space<vmem>>[vector<16xi32>, vector<16xi32>], vector<16xf32>,
      %scan3A_740 = arith.constant 0 : i32
      scf.yield %scan3A_740 : i32
    }
    %scan3A_84 = arith.constant 32 : i32
    %mul3A_85 = arith.constant 512 : i32
    %mul3A_86 = arith.muli %add3A, %mul3A_85 : i32
    "tpu.region"() ({
      %run_scoped3A = tpu.sem_alloc : memref<!tpu.dma_semaphore, #tpu.memory_space<semaphore_mem>>
      %dma_start3A_87 = arith.constant 0 : i32
      %dma_start3A_88 = tpu.memref_slice %arg5[%mul3A_86, %dma_start3A_87] : memref<16384x64xf32, #tpu.memory_space<hbm>> -> memref<512x64xf32, #tpu.memory_space<hbm>>
      %dma_start3A_89 = arith.constant 0 : i32
      %dma_start3A_90 = tpu.memref_slice %arg5[%mul3A_86, %dma_start3A_89] : memref<16384x64xf32, #tpu.memory_space<hbm>> -> memref<512x64xf32, #tpu.memory_space<hbm>>
      tpu.enqueue_dma source(%arg9 : memref<512x64xf32, #tpu.memory_space<vmem>>) target(%dma_start3A_90 : memref<512x64xf32, #tpu.memory_space<hbm>>) target_semaphore(%run_scoped3A : memref<!tpu.dma_semaphore, #tpu.memory_space<semaphore_mem>>)
      %dma_wait3A_91 = arith.constant 0 : i32
      %dma_wait3A_92 = tpu.memref_slice %arg5[%mul3A_86, %dma_wait3A_91] : memref<16384x64xf32, #tpu.memory_space<hbm>> -> memref<512x64xf32, #tpu.memory_space<hbm>>
      %dma_wait3A_93 = arith.constant 0 : i32
      %dma_wait3A_94 = tpu.memref_slice %arg5[%mul3A_86, %dma_wait3A_93] : memref<16384x64xf32, #tpu.memory_space<hbm>> -> memref<512x64xf32, #tpu.memory_space<hbm>>
      tpu.wait_dma2 semaphore(%run_scoped3A : memref<!tpu.dma_semaphore, #tpu.memory_space<semaphore_mem>>) src(%arg9 : memref<512x64xf32, #tpu.memory_space<vmem>>) dst(%dma_wait3A_94 : memref<512x64xf32, #tpu.memory_space<hbm>>)
      tpu.yield
    }) : () -> ()
    return
  }
}

module attributes {stable_mosaic.version = 14 : i64} {
  func.func @_tc_body(%arg0: i32, %arg1: memref<1024x64xf32, #tpu.memory_space<vmem>>, %arg2: memref<1024x8xi32, #tpu.memory_space<vmem>>, %arg3: memref<32x64xf32, #tpu.memory_space<vmem>>, %arg4: memref<128x64xf32, #tpu.memory_space<vmem>>, %arg5: memref<1x64xf32, #tpu.memory_space<vmem>>, %arg6: memref<1024x64xf32, #tpu.memory_space<vmem>>) attributes {dimension_semantics = [#tpu.dimension_semantics<arbitrary>], iteration_bounds = array<i64: 16>, scalar_prefetch = 0 : i64, scratch_operands = 0 : i64, tpu.core_type = #tpu.core_type<tc>, window_params = [{transform_indices = @transform_0, window_bounds = array<i64: 1024, 64>}, {transform_indices = @transform_1, window_bounds = array<i64: 1024, 8>}, {pipeline_mode = #tpu.pipeline_mode<synchronous>, transform_indices = @transform_2, window_bounds = array<i64: 32, 64>}, {pipeline_mode = #tpu.pipeline_mode<synchronous>, transform_indices = @transform_3, window_bounds = array<i64: 128, 64>}, {pipeline_mode = #tpu.pipeline_mode<synchronous>, transform_indices = @transform_4, window_bounds = array<i64: 1, 64>}, {transform_indices = @transform_5, window_bounds = array<i64: 1024, 64>}]} {
    %get3A = arith.constant 0 : index
    %get3A_0 = arith.constant 0 : index
    %get3A_1 = vector.load %arg2[%get3A, %get3A_0] : memref<1024x8xi32, #tpu.memory_space<vmem>>, vector<1024x8xi32>
    %iota3A = tpu.iota {dimensions = array<i32: 1>} : vector<1x32xi32>
    %broadcast_in_dim3A = arith.constant 0.000000e+00 : f32
    %broadcast_in_dim3A_2 = vector.broadcast %broadcast_in_dim3A : f32 to vector<1024x32xf32>
    %slice3A = vector.extract_strided_slice %get3A_1 {offsets = [0, 0], sizes = [1024, 1], strides = [1, 1]} : vector<1024x8xi32> to vector<1024x1xi32>
    %eq3A = vector.broadcast %slice3A : vector<1024x1xi32> to vector<1024x32xi32>
    %eq3A_3 = vector.broadcast %iota3A : vector<1x32xi32> to vector<1024x32xi32>
    %eq3A_4 = arith.cmpi eq, %eq3A, %eq3A_3 : vector<1024x32xi32>
    %convert_element_type3A = arith.extui %eq3A_4 : vector<1024x32xi1> to vector<1024x32xi32>
    %convert_element_type3A_5 = arith.sitofp %convert_element_type3A : vector<1024x32xi32> to vector<1024x32xf32>
    %add3A = arith.addf %broadcast_in_dim3A_2, %convert_element_type3A_5 : vector<1024x32xf32>
    %slice3A_6 = vector.extract_strided_slice %get3A_1 {offsets = [0, 1], sizes = [1024, 1], strides = [1, 1]} : vector<1024x8xi32> to vector<1024x1xi32>
    %eq3A_7 = vector.broadcast %slice3A_6 : vector<1024x1xi32> to vector<1024x32xi32>
    %eq3A_8 = vector.broadcast %iota3A : vector<1x32xi32> to vector<1024x32xi32>
    %eq3A_9 = arith.cmpi eq, %eq3A_7, %eq3A_8 : vector<1024x32xi32>
    %convert_element_type3A_10 = arith.extui %eq3A_9 : vector<1024x32xi1> to vector<1024x32xi32>
    %convert_element_type3A_11 = arith.sitofp %convert_element_type3A_10 : vector<1024x32xi32> to vector<1024x32xf32>
    %add3A_12 = arith.addf %add3A, %convert_element_type3A_11 : vector<1024x32xf32>
    %slice3A_13 = vector.extract_strided_slice %get3A_1 {offsets = [0, 2], sizes = [1024, 1], strides = [1, 1]} : vector<1024x8xi32> to vector<1024x1xi32>
    %eq3A_14 = vector.broadcast %slice3A_13 : vector<1024x1xi32> to vector<1024x32xi32>
    %eq3A_15 = vector.broadcast %iota3A : vector<1x32xi32> to vector<1024x32xi32>
    %eq3A_16 = arith.cmpi eq, %eq3A_14, %eq3A_15 : vector<1024x32xi32>
    %convert_element_type3A_17 = arith.extui %eq3A_16 : vector<1024x32xi1> to vector<1024x32xi32>
    %convert_element_type3A_18 = arith.sitofp %convert_element_type3A_17 : vector<1024x32xi32> to vector<1024x32xf32>
    %add3A_19 = arith.addf %add3A_12, %convert_element_type3A_18 : vector<1024x32xf32>
    %slice3A_20 = vector.extract_strided_slice %get3A_1 {offsets = [0, 3], sizes = [1024, 1], strides = [1, 1]} : vector<1024x8xi32> to vector<1024x1xi32>
    %eq3A_21 = vector.broadcast %slice3A_20 : vector<1024x1xi32> to vector<1024x32xi32>
    %eq3A_22 = vector.broadcast %iota3A : vector<1x32xi32> to vector<1024x32xi32>
    %eq3A_23 = arith.cmpi eq, %eq3A_21, %eq3A_22 : vector<1024x32xi32>
    %convert_element_type3A_24 = arith.extui %eq3A_23 : vector<1024x32xi1> to vector<1024x32xi32>
    %convert_element_type3A_25 = arith.sitofp %convert_element_type3A_24 : vector<1024x32xi32> to vector<1024x32xf32>
    %add3A_26 = arith.addf %add3A_19, %convert_element_type3A_25 : vector<1024x32xf32>
    %slice3A_27 = vector.extract_strided_slice %get3A_1 {offsets = [0, 4], sizes = [1024, 1], strides = [1, 1]} : vector<1024x8xi32> to vector<1024x1xi32>
    %eq3A_28 = vector.broadcast %slice3A_27 : vector<1024x1xi32> to vector<1024x32xi32>
    %eq3A_29 = vector.broadcast %iota3A : vector<1x32xi32> to vector<1024x32xi32>
    %eq3A_30 = arith.cmpi eq, %eq3A_28, %eq3A_29 : vector<1024x32xi32>
    %convert_element_type3A_31 = arith.extui %eq3A_30 : vector<1024x32xi1> to vector<1024x32xi32>
    %convert_element_type3A_32 = arith.sitofp %convert_element_type3A_31 : vector<1024x32xi32> to vector<1024x32xf32>
    %add3A_33 = arith.addf %add3A_26, %convert_element_type3A_32 : vector<1024x32xf32>
    %slice3A_34 = vector.extract_strided_slice %get3A_1 {offsets = [0, 5], sizes = [1024, 1], strides = [1, 1]} : vector<1024x8xi32> to vector<1024x1xi32>
    %eq3A_35 = vector.broadcast %slice3A_34 : vector<1024x1xi32> to vector<1024x32xi32>
    %eq3A_36 = vector.broadcast %iota3A : vector<1x32xi32> to vector<1024x32xi32>
    %eq3A_37 = arith.cmpi eq, %eq3A_35, %eq3A_36 : vector<1024x32xi32>
    %convert_element_type3A_38 = arith.extui %eq3A_37 : vector<1024x32xi1> to vector<1024x32xi32>
    %convert_element_type3A_39 = arith.sitofp %convert_element_type3A_38 : vector<1024x32xi32> to vector<1024x32xf32>
    %add3A_40 = arith.addf %add3A_33, %convert_element_type3A_39 : vector<1024x32xf32>
    %slice3A_41 = vector.extract_strided_slice %get3A_1 {offsets = [0, 6], sizes = [1024, 1], strides = [1, 1]} : vector<1024x8xi32> to vector<1024x1xi32>
    %eq3A_42 = vector.broadcast %slice3A_41 : vector<1024x1xi32> to vector<1024x32xi32>
    %eq3A_43 = vector.broadcast %iota3A : vector<1x32xi32> to vector<1024x32xi32>
    %eq3A_44 = arith.cmpi eq, %eq3A_42, %eq3A_43 : vector<1024x32xi32>
    %convert_element_type3A_45 = arith.extui %eq3A_44 : vector<1024x32xi1> to vector<1024x32xi32>
    %convert_element_type3A_46 = arith.sitofp %convert_element_type3A_45 : vector<1024x32xi32> to vector<1024x32xf32>
    %add3A_47 = arith.addf %add3A_40, %convert_element_type3A_46 : vector<1024x32xf32>
    %slice3A_48 = vector.extract_strided_slice %get3A_1 {offsets = [0, 7], sizes = [1024, 1], strides = [1, 1]} : vector<1024x8xi32> to vector<1024x1xi32>
    %eq3A_49 = vector.broadcast %slice3A_48 : vector<1024x1xi32> to vector<1024x32xi32>
    %eq3A_50 = vector.broadcast %iota3A : vector<1x32xi32> to vector<1024x32xi32>
    %eq3A_51 = arith.cmpi eq, %eq3A_49, %eq3A_50 : vector<1024x32xi32>
    %convert_element_type3A_52 = arith.extui %eq3A_51 : vector<1024x32xi1> to vector<1024x32xi32>
    %convert_element_type3A_53 = arith.sitofp %convert_element_type3A_52 : vector<1024x32xi32> to vector<1024x32xf32>
    %add3A_54 = arith.addf %add3A_47, %convert_element_type3A_53 : vector<1024x32xf32>
    %get3A_55 = arith.constant 0 : index
    %get3A_56 = arith.constant 0 : index
    %get3A_57 = vector.load %arg3[%get3A_55, %get3A_56] : memref<32x64xf32, #tpu.memory_space<vmem>>, vector<32x64xf32>
    %dot_general3A = arith.constant dense<0.000000e+00> : vector<1024x64xf32>
    %dot_general3A_58 = tpu.matmul %add3A_54, %get3A_57, %dot_general3A {dimension_numbers = #tpu.dot_dimension_numbers<[1], [0], [0], [1], [0, 0, 1, 1], [], []>, transpose_lhs_hint = false} : vector<1024x32xf32>, vector<32x64xf32>, vector<1024x64xf32> -> vector<1024x64xf32>
    %get3A_59 = arith.constant 0 : index
    %get3A_60 = arith.constant 0 : index
    %get3A_61 = vector.load %arg1[%get3A_59, %get3A_60] : memref<1024x64xf32, #tpu.memory_space<vmem>>, vector<1024x64xf32>
    %concatenate3A = tpu.concatenate %get3A_61, %dot_general3A_58 in 1 : vector<1024x64xf32>, vector<1024x64xf32> -> vector<1024x128xf32>
    %get3A_62 = arith.constant 0 : index
    %get3A_63 = arith.constant 0 : index
    %get3A_64 = vector.load %arg4[%get3A_62, %get3A_63] : memref<128x64xf32, #tpu.memory_space<vmem>>, vector<128x64xf32>
    %dot_general3A_65 = arith.constant dense<0.000000e+00> : vector<1024x64xf32>
    %dot_general3A_66 = tpu.matmul %concatenate3A, %get3A_64, %dot_general3A_65 {dimension_numbers = #tpu.dot_dimension_numbers<[1], [0], [0], [1], [0, 0, 1, 1], [], []>, transpose_lhs_hint = false} : vector<1024x128xf32>, vector<128x64xf32>, vector<1024x64xf32> -> vector<1024x64xf32>
    %get3A_67 = arith.constant 0 : index
    %get3A_68 = arith.constant 0 : index
    %get3A_69 = vector.load %arg5[%get3A_67, %get3A_68] : memref<1x64xf32, #tpu.memory_space<vmem>>, vector<1x64xf32>
    %add3A_70 = vector.broadcast %get3A_69 : vector<1x64xf32> to vector<1024x64xf32>
    %add3A_71 = arith.addf %dot_general3A_66, %add3A_70 : vector<1024x64xf32>
    %max3A = arith.constant 0.000000e+00 : f32
    %max3A_72 = vector.broadcast %max3A : f32 to vector<1024x64xf32>
    %max3A_73 = arith.maximumf %add3A_71, %max3A_72 : vector<1024x64xf32>
    %swap3A = arith.constant 0 : index
    %swap3A_74 = arith.constant 0 : index
    %swap3A_75 = vector.load %arg6[%swap3A, %swap3A_74] : memref<1024x64xf32, #tpu.memory_space<vmem>>, vector<1024x64xf32>
    tpu.vector_store %arg6[%swap3A, %swap3A_74], %max3A_73 {strides = array<i32>} : memref<1024x64xf32, #tpu.memory_space<vmem>>, vector<1024x64xf32>,
    return
  }
  func.func @transform_0(%arg0: i32) -> (i32, i32) {
    %c0_i32 = arith.constant 0 : i32
    %c0_i32_0 = arith.constant 0 : i32
    return %arg0, %c0_i32 : i32, i32
  }
  func.func @transform_1(%arg0: i32) -> (i32, i32) {
    %c0_i32 = arith.constant 0 : i32
    %c0_i32_0 = arith.constant 0 : i32
    return %arg0, %c0_i32 : i32, i32
  }
  func.func @transform_2(%arg0: i32) -> (i32, i32) {
    %c0_i32 = arith.constant 0 : i32
    %c0_i32_0 = arith.constant 0 : i32
    %c0_i32_1 = arith.constant 0 : i32
    return %c0_i32, %c0_i32_0 : i32, i32
  }
  func.func @transform_3(%arg0: i32) -> (i32, i32) {
    %c0_i32 = arith.constant 0 : i32
    %c0_i32_0 = arith.constant 0 : i32
    %c0_i32_1 = arith.constant 0 : i32
    return %c0_i32, %c0_i32_0 : i32, i32
  }
  func.func @transform_4(%arg0: i32) -> (i32, i32) {
    %c0_i32 = arith.constant 0 : i32
    %c0_i32_0 = arith.constant 0 : i32
    %c0_i32_1 = arith.constant 0 : i32
    return %c0_i32, %c0_i32_0 : i32, i32
  }
  func.func @transform_5(%arg0: i32) -> (i32, i32) {
    %c0_i32 = arith.constant 0 : i32
    %c0_i32_0 = arith.constant 0 : i32
    return %arg0, %c0_i32 : i32, i32
  }
}

</mosaic_0001>

<sc_bundles>
// kernel: kernel.4.cloned.1.call-start
scs
__scs_entry_jumppad:
0x0: {  	(pc) =	sbr.rel $0x88, $3  }
0x1: {  	(tag) =	ssettag $0x0;
	lr =	simm.s32 $0x1  }
0x2: {  	[smem:$0x3F9B] =	sst lr;
	_ =	strace $0xD0000000  }
0x3: {  	_ = 	snop  }
0x4: {  	_ = 	snop  }
0x5: {  	_ = 	snop  }
0x6: {  	_ = 	snop  }
0x7: {  	_ = 	snop  }
__scs_overlays_trampoline_lowered:
0x8: {  	[smem:$0x3FAA] =	sst s0  }
0x9: {  	[smem:$0x3FAB] =	sst s1  }
0xa: {  	[smem:$0x3FAC] =	sst s2  }
0xb: {  	[smem:$0x3FAD] =	sst s3  }
0xc: {  	[smem:$0x3FAE] =	sst s4  }
0xd: {  	[smem:$0x3FAF] =	sst s5  }
0xe: {  	[smem:$0x3FB0] =	sst s6  }
0xf: {  	[smem:$0x3FB1] =	sst s7  }
0x10: {  	[smem:$0x3FB2] =	sst s8  }
0x11: {  	[smem:$0x3FB3] =	sst s9;
	s0 =	simm.s32 @!p0 $0x0  }
0x12: {  	s1 =	sld [smem:$0x3F99];
	s0 =	simm.s32 @p0 $0x1  }
0x13: {  	[smem:$0x3FB4] =	sst s0;
	s0 =	simm.s32 @!p1 $0x0  }
0x14: {  	s2 =	sld [smem:$0x3F98];
	s0 =	simm.s32 @p1 $0x1  }
0x15: {  	[smem:$0x3FB5] =	sst s0;
	s0 =	simm.s32 @!p2 $0x0  }
0x16: {  	s3 =	sld [smem:$0x3FDB];
	s0 =	simm.s32 @p2 $0x1  }
0x17: {  	s4 =	simm.s32 $0x1BF5;
	[smem:$0x3FB7] =	sst s0  }
0x18: {  	s0 =	sld [smem:$0x3F9A];
	_ =	swait.ge [sflag:s4], $0x0  }
0x19: {  	s7 =	sld [smem:$0x3F9B]  }
0x1a: {  	s8 =	sadd.s32 $0xFFFFE003, lr  }
0x1b: {  	s9 =	sadd.s32 $0xFFFFFEF7, lr;
	s5 =	simm.s32 $0xFFFFFFFF;
	p2 =	slt.u32 s8, $0xFFFFF086  }
0x1c: {  	p1 =	slt.u32 s9, $0xF7A;
	s5 =	simm.s32 @!p2 $0x0  }
0x1d: {  	s5 =	simm.s32 @p1 $0x1;
	p0 =	seq.s32 s7, s2  }
0x1e: {  	s7 =	smul.u32 @!p0 $0xF7A, s2;
	p2 =	seq.s32 @!p0 s5, $0x0  }
0x1f: {  	s9 =	smul.u32 $0xF7A, s1;
	s8 =	simm.s32 @!p0 $0x1BF5;
	p2 =	por !p2, p0  }
0x20: {  	[sflag:s8] =	ssyncset.s32 @!p0 $0xFFFFF086;
	s6 =	sadd.s32 @!p0 s3, s7;
	s7 =	simm.s32 @!p0 $0x108  }
0x21: {  	s3 =	sadd.s32 s3, s9;
	s6 =	sadd.s32 @!p0 $0x88, s6;
	s7 =	simm.s32 @p2 $0x1082  }
0x22: {  	[simem:s7], [sflag:s8] =	dma.local @!p0 [hbm:s6], $0xF7A  }
0x23: {  	s9 =	sor.u32 $0xD0000000, s2;
	s6 =	simm.s32 $0x108;
	_ =	swait.ge @!p0 [sflag:s8], $0x0  }
0x24: {  	s3 =	sadd.s32 $0x88, s3;
	s6 =	simm.s32 @!p1 $0x1082;
	[sflag:s4] =	ssyncset.s32 $0xFFFFF086  }
0x25: {  	[simem:s6], [sflag:s4] =	dma.local [hbm:s3], $0xF7A  }
0x26: {  	[smem:$0x3F9B] =	sst s1;
	(tag) =	ssettag s2;
	_ =	strace s9  }
0x27: {  	s1 =	sld [smem:$0x3FAB]  }
0x28: {  	s2 =	sld [smem:$0x3FAC]  }
0x29: {  	s4 =	sld [smem:$0x3FAE]  }
0x2a: {  	p0 =	seq.s32 s5, $0x0;
	s5 =	sld [smem:$0x3FAF]  }
0x2b: {  	s6 =	sld [smem:$0x3FB0]  }
0x2c: {  	s7 =	sld [smem:$0x3FB1]  }
0x2d: {  	s3 =	simm.s32 $0x108;
	s8 =	sld [smem:$0x3FB2]  }
0x2e: {  	s3 =	simm.s32 @!p0 $0x1082;
	s9 =	sld [smem:$0x3FB3]  }
0x2f: {  	lr =	sadd.s32 s0, s3;
	s0 =	sld [smem:$0x3FAA]  }
0x30: {  	s3 =	sld [smem:$0x3FAD]  }
0x31: {  	[smem:$0x3FB6] =	sst s10  }
0x32: {  	s10 =	sld [smem:$0x3FB4];
	_ =	sdelay $0x3  }
0x33: {  	p0 =	seq.s32 s10, $0x1;
	s10 =	sld [smem:$0x3FB6];
	_ =	sdelay $0x3  }
0x34: {  	[smem:$0x3FB6] =	sst s10  }
0x35: {  	s10 =	sld [smem:$0x3FB5];
	_ =	sdelay $0x3  }
0x36: {  	p1 =	seq.s32 s10, $0x1;
	s10 =	sld [smem:$0x3FB6];
	_ =	sdelay $0x3  }
0x37: {  	[smem:$0x3FB6] =	sst s10  }
0x38: {  	s10 =	sld [smem:$0x3FB7]  }
0x39: {  	_ = 	snop;
	(pc) =	sbr.ind lr, $3  }
0x3a: {  	_ = 	snop  }
0x3b: {  	_ = 	snop  }
0x3c: {  	p2 =	seq.s32 s10, $0x1;
	s10 =	sld [smem:$0x3FB6]  }
0x3d: {  	_ =	shalt  }
0x3e: {  	_ =	shalt  }
0x3f: {  	_ =	shalt  }
0x40: {  	_ =	shalt  }
0x41: {  	_ =	shalt  }
0x42: {  	_ =	shalt  }
0x43: {  	_ =	shalt  }
0x44: {  	_ =	shalt  }
0x45: {  	_ =	shalt  }
0x46: {  	_ =	shalt  }
0x47: {  	_ =	shalt  }
0x48: {  	_ =	shalt  }
0x49: {  	_ =	shalt  }
0x4a: {  	_ =	shalt  }
0x4b: {  	_ =	shalt  }
0x4c: {  	_ =	shalt  }
0x4d: {  	_ =	shalt  }
0x4e: {  	_ =	shalt  }
0x4f: {  	_ =	shalt  }
0x50: {  	_ =	shalt  }
0x51: {  	_ =	shalt  }
0x52: {  	_ =	shalt  }
0x53: {  	_ =	shalt  }
0x54: {  	_ =	shalt  }
0x55: {  	_ =	shalt  }
0x56: {  	_ =	shalt  }
0x57: {  	_ =	shalt  }
0x58: {  	_ =	shalt  }
0x59: {  	_ =	shalt  }
0x5a: {  	_ =	shalt  }
0x5b: {  	_ =	shalt  }
0x5c: {  	_ =	shalt  }
0x5d: {  	_ =	shalt  }
0x5e: {  	_ =	shalt  }
0x5f: {  	_ =	shalt  }
0x60: {  	_ =	shalt  }
0x61: {  	_ =	shalt  }
0x62: {  	_ =	shalt  }
0x63: {  	_ =	shalt  }
0x64: {  	_ =	shalt  }
0x65: {  	_ =	shalt  }
0x66: {  	_ =	shalt  }
0x67: {  	_ =	shalt  }
0x68: {  	_ =	shalt  }
0x69: {  	_ =	shalt  }
0x6a: {  	_ =	shalt  }
0x6b: {  	_ =	shalt  }
0x6c: {  	_ =	shalt  }
0x6d: {  	_ =	shalt  }
0x6e: {  	_ =	shalt  }
0x6f: {  	_ =	shalt  }
0x70: {  	_ =	shalt  }
0x71: {  	_ =	shalt  }
0x72: {  	_ =	shalt  }
0x73: {  	_ =	shalt  }
0x74: {  	_ =	shalt  }
0x75: {  	_ =	shalt  }
0x76: {  	_ =	shalt  }
0x77: {  	_ =	shalt  }
0x78: {  	_ =	shalt  }
0x79: {  	_ =	shalt  }
0x7a: {  	_ =	shalt  }
0x7b: {  	_ =	shalt  }
0x7c: {  	_ =	shalt  }
0x7d: {  	_ =	shalt  }
0x7e: {  	_ =	shalt  }
0x7f: {  	_ =	shalt  }
0x80: {  	_ =	shalt  }
0x81: {  	_ =	shalt  }
0x82: {  	_ =	shalt  }
0x83: {  	_ =	shalt  }
0x84: {  	_ =	shalt  }
0x85: {  	_ =	shalt  }
0x86: {  	_ =	shalt  }
0x87: {  	_ =	shalt  }
.Lfunc_end0:
.L_simem_size_0:
called_computation_lowered:
.L_overlay_start_0:
0x88: {  	s2 =	sld [smem:$0x3FD9]  }
0x89: {  	s3 =	sld [smem:$0x3FFE];
	_ =	sdelay $0x1  }
0x8a: {  	s1 =	srdreg.scid  }
0x8b: {  	s0 =	sand.u32 $0x1, s1  }
0x8c: {  	s17 =	sshll.u32 s0, $0xA;
	s2 =	sadd.s32 s3, s2  }
0x8d: {  	s2 =	sadd.s32 s2, s17  }
0x8e: {  	[smem:$0x3FC2] =	sst s2  }
0x8f: {  	_ = 	snop  }
0x90: {  	s2 =	sld [smem:$0x3FC9]  }
0x91: {  	s18 =	sld [smem:$0x3FD0];
	(tm) =	ssettm $0x1  }
0x92: {  	s4 =	sld [smem:$0x3FFB];
	_ =	sdelay $0x3  }
0x93: {  	_ =	strace s4  }
0x94: {  	s4 =	sld [smem:$0x3FFC];
	_ =	sdelay $0x3  }
0x95: {  	_ =	strace s4  }
0x96: {  	s4 =	sld [smem:$0x3FFD];
	_ =	sdelay $0x3  }
0x97: {  	_ =	strace s4  }
0x98: {  	_ =	strace $0x8FFFFFFF  }
0x99: {  	s19 =	sld [smem:$0x3FDB];
	_ =	sdelay $0x1  }
0x9a: {  	s5 =	simm.s32 $_scs_section_size  }
0x9b: {  	s6 =	simm.s32 $_size__tile_overlayer_lowered;
	s7 =	simm.s32 $_tile_overlayer_lowered  }
0x9c: {  	s22 =	simm.s32 $0x1BFF;
	s21 =	sshll.u32 s7, $0x1;
	s4 =	sadd.s32 s5, s19  }
0x9d: {  	s8 =	simm.s32 $0x0;
	s20 =	sshll.u32 s6, $0x1;
	s6 =	sadd.s32 s21, s4  }
0x9e: {  	[timem:s8], [sflag:s22] =	dma.local [hbm:s6], s20  }
0x9f: {  	_ =	swait.ge [sflag:s22], s20  }
0xa0: {  	s5 =	ssub.s32 $0x0, s20;
	[sflag:s22] =	ssyncset.done $0x0  }
0xa1: {  	[sflag:s22] =	ssyncadd.s32 s5;
	_ =	sdelay $0x1  }
0xa2: {  	s23 =	simm.s32 $0x1B8B  }
0xa3: {  	_ =	swait.ge [sflag:s23], $0x1  }
0xa4: {  	[sflag:s23] =	ssyncset.done $0x0  }
0xa5: {  	s25 =	simm.s32 $0x1B8E;
	s24 =	sld [smem:$0x3FFE];
	[sflag:s23] =	ssyncadd.s32 $0xFFFFFFFF  }
0xa6: {  	s26 =	simm.s32 $execute0_lowered;
	[smem:$0x3FD2] =	sst s25  }
0xa7: {  	s6 =	sshll.u32 s26, $0x1;
	_ =	strace $0x80000046;
	[dreg:$0x1] =	wrdreg $0xFFFFFFFF  }
0xa8: {  	s28 =	simm.s32 $_size_execute0_lowered;
	s4 =	sadd.s32 s4, s6;
	[dreg:$0x0] =	wrdreg $0x0  }
0xa9: {  	s6 =	sshll.u32 s28, $0x1;
	[dreg:$0x2] =	wrdreg s4  }
0xaa: {  	[dreg:$0x3] =	wrdreg s6  }
0xab: {  	[dreg:$0x4] =	wrdreg $0xC0  }
0xac: {  	_ =	task [dreg:s8], $0x5FFFF  }
0xad: {  	[dreg:$0x1] =	wrdreg $0xFFFFFFFF  }
0xae: {  	[dreg:$0x0] =	wrdreg $0x60  }
0xaf: {  	[dreg:$0x2] =	wrdreg s24  }
0xb0: {  	[dreg:$0x3] =	wrdreg s2  }
0xb1: {  	[dreg:$0x4] =	wrdreg s18  }
0xb2: {  	[dreg:$0x5] =	wrdreg $0x9  }
0xb3: {  	_ =	task.clear_ibuf [dreg:s8], $0x6FFFF;
	_ =	strace $0x90000046  }
0xb4: {  	s29 =	simm.s32 $0x9;
	_ =	strace $0x80000048  }
0xb5: {  	_ =	swait.ge [sflag:s29], $0x1  }
0xb6: {  	[sflag:s29] =	ssyncadd.s32 $0xFFFFFFFF  }
0xb7: {  	_ =	strace $0x90000048  }
0xb8: {  	_ =	sfence  }
0xb9: {  	s30 =	sld [smem:$0x0];
	_ =	sdelay $0x2  }
0xba: {  	s31 =	sshll.u32 s1, $0xD;
	s1 =	sshrl.u32 s1, $0x2  }
0xbb: {  	s3 =	sand.u32 $0x4000, s31;
	s1 =	sadd.s32 s1, s30  }
0xbc: {  	s0 =	sor.u32 s3, s0;
	s1 =	sshll.u32 s1, $0x11  }
0xbd: {  	s0 =	sor.u32 s1, s0  }
0xbe: {  	s0 =	sadd.s32 $0x8F2B, s0  }
0xbf: {  	[sflag:s0] =	ssyncadd.remote.s32 $0x1  }
0xc0: {  	_ =	sfence.sel $0xFFFF  }
0xc1: {  	[dreg:$0x0] =	wrdreg $0xFFFFFFFF;
	(pc) =	sbr.abs _section_cstart, $3  }
0xc2: {  	[dreg:$0x1] =	wrdreg $0xFFFFFFFF  }
0xc3: {  	_ =	task.clear_ibuf [dreg:s8], $0x2FFFF;
	_ =	strace $0x9FFFFFFF  }
0xc4: {  	(tm) =	ssettm $0x7FFFFFFF  }
0xc5: {  	_ =	shalt  }
tec
execute0_lowered:
.L_overlay_start_1:
0x0: {  	(tag) =	ssettag $0x1  }
0x1: {  	s4 =	rddreg [dreg:$0x0]  }
0x2: {  	s5 =	rddreg [dreg:$0x1]  }
0x3: {  	s6 =	rddreg [dreg:$0x2]  }
0x4: {  	s0 =	rddreg [dreg:$0x3];
	s3 =	srdreg.scid  }
0x5: {  	s2 =	simm.s32 $0x0;
	s1 =	stileid.u32;
	s11 =	simm.s32 $0x4400  }
0x6: {  	s12 =	simm.s32 $0x100;
	s13 =	simm.s32 $0x8400;
	s14 =	simm.s32 $0x180  }
0x7: {  	s15 =	simm.s32 $0xC400;
	s16 =	simm.s32 $0x1;
	s17 =	simm.s32 $0x10400  }
0x8: {  	s18 =	simm.s32 $0x0;
	s3 =	sand.u32 $0x1, s3;
	[smem:$0x7FF] =	sst s2  }
0x9: {  	s7 =	sshll.u32 s1, $0xA;
	s8 =	sshll.u32 s3, $0x9;
	s31 =	ssub.s32 $0x2, s3  }
0xa: {  	_ =	strace $0x80000047;
	s7 =	sor.u32 s8, s7;
	s10 =	sshrl.u32 s31, $0x1  }
0xb: {  	s3 =	sadd.s32 $0xF43200, s4;
	s9 =	sshrl.u32 s7, $0x3;
	s8 =	ssub.s32 s31, s10  }
0xc: {  	s7 =	sshll.u32 s7, $0x3;
	s10 =	simm.s32 $0x400;
	s4 =	sadd.s32 s9, s4  }
0xd: {  	s5 =	sadd.s32 s5, s9;
	s6 =	sadd.s32 s6, s7;
	s7 =	smax.u32 s8, $0x1  }
0xe: {  	v0 =	vlaneseq.u32;
	s8 =	simm.s32 $0x2;
	s9 =	simm.s32 $0x80;
	s4 =	sadd.s32 $0xE00, s4  }
.LBB2_1:
0xf: {  	[tilespmem:s2], [sflag:$0x2] =	stream.linear.gather [hbm4b:s4+s2], $0x200, $0x38;
	[tilespmem:$0x18400] =	vst v63  }
0x10: {  	_ =	swait.ge [sflag:s8], $0x200  }
0x11: {  	[sflag:s8] =	ssyncset.done $0x0  }
0x12: {  	s19 =	simm.s32 $0x200;
	[sflag:s8] =	ssyncadd.s32 $0xFFFFFE00  }
0x13: {  	[tilespmem:s19], [sflag:$0x2] =	stream.linear.gather [hbm4b:s5+s2], $0x200, $0x38;
	[tilespmem:$0x18400] =	vst v63  }
0x14: {  	_ =	swait.ge [sflag:s8], $0x200  }
0x15: {  	[sflag:s8] =	ssyncset.done $0x0  }
0x16: {  	[sflag:s8] =	ssyncadd.s32 $0xFFFFFE00  }
0x17: {  	[tilespmem:s10], [sflag:$0x1] =	stream.indirect.gather [hbm4b:s3+s9], $0x80, s2, s9, $0xb8;
	[tilespmem:$0x18400] =	vst v63  }
0x18: {  	_ = 	snop  }
0x19: {  	[tilespmem:s11], [sflag:$0x1] =	stream.indirect.gather [hbm4b:s3+s9], $0x80, s9, s9, $0xb8;
	[tilespmem:$0x18400] =	vst v63  }
0x1a: {  	_ = 	snop  }
0x1b: {  	[tilespmem:s13], [sflag:$0x1] =	stream.indirect.gather [hbm4b:s3+s9], $0x80, s12, s9, $0xb8;
	[tilespmem:$0x18400] =	vst v63  }
0x1c: {  	_ = 	snop  }
0x1d: {  	[tilespmem:s15], [sflag:$0x1] =	stream.indirect.gather [hbm4b:s3+s9], $0x80, s14, s9, $0xb8;
	[tilespmem:$0x18400] =	vst v63  }
0x1e: {  	_ =	swait.ge [sflag:s16], $0x4000  }
0x1f: {  	[sflag:s16] =	ssyncset.done $0x0  }
0x20: {  	[sflag:s16] =	ssyncadd.s32 $0xFFFFC000  }
0x21: {  	_ =	swait.ge [sflag:s16], $0x4000  }
0x22: {  	[sflag:s16] =	ssyncset.done $0x0  }
0x23: {  	[sflag:s16] =	ssyncadd.s32 $0xFFFFC000  }
0x24: {  	_ =	swait.ge [sflag:s16], $0x4000  }
0x25: {  	[sflag:s16] =	ssyncset.done $0x0  }
0x26: {  	[sflag:s16] =	ssyncadd.s32 $0xFFFFC000  }
0x27: {  	_ =	swait.ge [sflag:s16], $0x4000  }
0x28: {  	[sflag:s16] =	ssyncset.done $0x0  }
0x29: {  	s20 =	simm.s32 $0x0;
	[sflag:s16] =	ssyncadd.s32 $0xFFFFC000  }
.LBB2_2:
0x2a: {  	v1 =	vld [tilespmem:s19+$0x0];
	_ =	sdelay $0x4  }
0x2b: {  	v3 =	vor.u32 s20, v0;
	v1 =	vshll.u32 v1, $0x6  }
0x2c: {  	v2 =	vshll.u32 v3, $0x7;
	v1 =	vand.u32 $0x40, v1  }
0x2d: {  	v2 =	vor.u32 v2, v1;
	_ =	sdelay $0x4  }
0x2e: {  	v1 =	vshll.u32 v3, $0x6;
	v4 =	vld.idx.msk [tilespmem:v2+s10+$0x0], $0xffff  }
0x2f: {  	v3 =	vor.u32 $0x1, v2;
	_ =	sdelay $0x3  }
0x30: {  	[tilespmem:v1+s17+$0x0] =	vst.idx.msk $0xffff, v4  }
0x31: {  	v54 =	vor.u32 $0x1, v1;
	v3 =	vld.idx.msk [tilespmem:v3+s10+$0x0], $0xffff  }
0x32: {  	v5 =	vor.u32 $0x2, v2;
	_ =	sdelay $0x3  }
0x33: {  	[tilespmem:v54+s17+$0x0] =	vst.idx.msk $0xffff, v3  }
0x34: {  	v55 =	vor.u32 $0x2, v1;
	v3 =	vld.idx.msk [tilespmem:v5+s10+$0x0], $0xffff  }
0x35: {  	v56 =	vor.u32 $0x3, v2;
	_ =	sdelay $0x3  }
0x36: {  	[tilespmem:v55+s17+$0x0] =	vst.idx.msk $0xffff, v3  }
0x37: {  	v57 =	vor.u32 $0x3, v1;
	v3 =	vld.idx.msk [tilespmem:v56+s10+$0x0], $0xffff  }
0x38: {  	v58 =	vor.u32 $0x4, v2;
	_ =	sdelay $0x3  }
0x39: {  	[tilespmem:v57+s17+$0x0] =	vst.idx.msk $0xffff, v3  }
0x3a: {  	v59 =	vor.u32 $0x4, v1;
	v3 =	vld.idx.msk [tilespmem:v58+s10+$0x0], $0xffff  }
0x3b: {  	v60 =	vor.u32 $0x5, v2;
	_ =	sdelay $0x3  }
0x3c: {  	[tilespmem:v59+s17+$0x0] =	vst.idx.msk $0xffff, v3  }
0x3d: {  	v61 =	vor.u32 $0x5, v1;
	v3 =	vld.idx.msk [tilespmem:v60+s10+$0x0], $0xffff  }
0x3e: {  	v62 =	vor.u32 $0x6, v2;
	_ =	sdelay $0x3  }
0x3f: {  	[tilespmem:v61+s17+$0x0] =	vst.idx.msk $0xffff, v3  }
0x40: {  	v63 =	vor.u32 $0x6, v1;
	v3 =	vld.idx.msk [tilespmem:v62+s10+$0x0], $0xffff  }
0x41: {  	v8 =	vor.u32 $0x7, v2;
	_ =	sdelay $0x3  }
0x42: {  	[tilespmem:v63+s17+$0x0] =	vst.idx.msk $0xffff, v3  }
0x43: {  	v9 =	vor.u32 $0x7, v1;
	v3 =	vld.idx.msk [tilespmem:v8+s10+$0x0], $0xffff  }
0x44: {  	v10 =	vor.u32 $0x8, v2;
	_ =	sdelay $0x3  }
0x45: {  	[tilespmem:v9+s17+$0x0] =	vst.idx.msk $0xffff, v3  }
0x46: {  	v11 =	vor.u32 $0x8, v1;
	v3 =	vld.idx.msk [tilespmem:v10+s10+$0x0], $0xffff  }
0x47: {  	v12 =	vor.u32 $0x9, v2;
	_ =	sdelay $0x3  }
0x48: {  	[tilespmem:v11+s17+$0x0] =	vst.idx.msk $0xffff, v3  }
0x49: {  	v13 =	vor.u32 $0x9, v1;
	v3 =	vld.idx.msk [tilespmem:v12+s10+$0x0], $0xffff  }
0x4a: {  	v14 =	vor.u32 $0xA, v2;
	_ =	sdelay $0x3  }
0x4b: {  	[tilespmem:v13+s17+$0x0] =	vst.idx.msk $0xffff, v3  }
0x4c: {  	v15 =	vor.u32 $0xA, v1;
	v3 =	vld.idx.msk [tilespmem:v14+s10+$0x0], $0xffff  }
0x4d: {  	v16 =	vor.u32 $0xB, v2;
	_ =	sdelay $0x3  }
0x4e: {  	[tilespmem:v15+s17+$0x0] =	vst.idx.msk $0xffff, v3  }
0x4f: {  	v17 =	vor.u32 $0xB, v1;
	v3 =	vld.idx.msk [tilespmem:v16+s10+$0x0], $0xffff  }
0x50: {  	v18 =	vor.u32 $0xC, v2;
	_ =	sdelay $0x3  }
0x51: {  	[tilespmem:v17+s17+$0x0] =	vst.idx.msk $0xffff, v3  }
0x52: {  	v19 =	vor.u32 $0xC, v1;
	v3 =	vld.idx.msk [tilespmem:v18+s10+$0x0], $0xffff  }
0x53: {  	v20 =	vor.u32 $0xD, v2;
	_ =	sdelay $0x3  }
0x54: {  	[tilespmem:v19+s17+$0x0] =	vst.idx.msk $0xffff, v3  }
0x55: {  	v21 =	vor.u32 $0xD, v1;
	v3 =	vld.idx.msk [tilespmem:v20+s10+$0x0], $0xffff  }
0x56: {  	v22 =	vor.u32 $0xE, v2;
	_ =	sdelay $0x3  }
0x57: {  	[tilespmem:v21+s17+$0x0] =	vst.idx.msk $0xffff, v3  }
0x58: {  	v23 =	vor.u32 $0xE, v1;
	v3 =	vld.idx.msk [tilespmem:v22+s10+$0x0], $0xffff  }
0x59: {  	v24 =	vor.u32 $0xF, v2;
	_ =	sdelay $0x3  }
0x5a: {  	[tilespmem:v23+s17+$0x0] =	vst.idx.msk $0xffff, v3  }
0x5b: {  	v25 =	vor.u32 $0xF, v1;
	v3 =	vld.idx.msk [tilespmem:v24+s10+$0x0], $0xffff  }
0x5c: {  	v26 =	vor.u32 $0x10, v2;
	_ =	sdelay $0x3  }
0x5d: {  	[tilespmem:v25+s17+$0x0] =	vst.idx.msk $0xffff, v3  }
0x5e: {  	v27 =	vor.u32 $0x10, v1;
	v3 =	vld.idx.msk [tilespmem:v26+s10+$0x0], $0xffff  }
0x5f: {  	v28 =	vor.u32 $0x11, v2;
	_ =	sdelay $0x3  }
0x60: {  	[tilespmem:v27+s17+$0x0] =	vst.idx.msk $0xffff, v3  }
0x61: {  	v29 =	vor.u32 $0x11, v1;
	v3 =	vld.idx.msk [tilespmem:v28+s10+$0x0], $0xffff  }
0x62: {  	v30 =	vor.u32 $0x12, v2;
	_ =	sdelay $0x3  }
0x63: {  	[tilespmem:v29+s17+$0x0] =	vst.idx.msk $0xffff, v3  }
0x64: {  	v31 =	vor.u32 $0x12, v1;
	v3 =	vld.idx.msk [tilespmem:v30+s10+$0x0], $0xffff  }
0x65: {  	v32 =	vor.u32 $0x13, v2;
	_ =	sdelay $0x3  }
0x66: {  	[tilespmem:v31+s17+$0x0] =	vst.idx.msk $0xffff, v3  }
0x67: {  	v33 =	vor.u32 $0x13, v1;
	v3 =	vld.idx.msk [tilespmem:v32+s10+$0x0], $0xffff  }
0x68: {  	v34 =	vor.u32 $0x14, v2;
	_ =	sdelay $0x3  }
0x69: {  	[tilespmem:v33+s17+$0x0] =	vst.idx.msk $0xffff, v3  }
0x6a: {  	v35 =	vor.u32 $0x14, v1;
	v3 =	vld.idx.msk [tilespmem:v34+s10+$0x0], $0xffff  }
0x6b: {  	v36 =	vor.u32 $0x15, v2;
	_ =	sdelay $0x3  }
0x6c: {  	[tilespmem:v35+s17+$0x0] =	vst.idx.msk $0xffff, v3  }
0x6d: {  	v37 =	vor.u32 $0x15, v1;
	v3 =	vld.idx.msk [tilespmem:v36+s10+$0x0], $0xffff  }
0x6e: {  	v38 =	vor.u32 $0x16, v2;
	_ =	sdelay $0x3  }
0x6f: {  	[tilespmem:v37+s17+$0x0] =	vst.idx.msk $0xffff, v3  }
0x70: {  	v39 =	vor.u32 $0x16, v1;
	v3 =	vld.idx.msk [tilespmem:v38+s10+$0x0], $0xffff  }
0x71: {  	v40 =	vor.u32 $0x17, v2;
	_ =	sdelay $0x3  }
0x72: {  	[tilespmem:v39+s17+$0x0] =	vst.idx.msk $0xffff, v3  }
0x73: {  	v41 =	vor.u32 $0x17, v1;
	v3 =	vld.idx.msk [tilespmem:v40+s10+$0x0], $0xffff  }
0x74: {  	v42 =	vor.u32 $0x18, v2;
	_ =	sdelay $0x3  }
0x75: {  	[tilespmem:v41+s17+$0x0] =	vst.idx.msk $0xffff, v3  }
0x76: {  	v43 =	vor.u32 $0x18, v1;
	v3 =	vld.idx.msk [tilespmem:v42+s10+$0x0], $0xffff  }
0x77: {  	v44 =	vor.u32 $0x19, v2;
	_ =	sdelay $0x3  }
0x78: {  	[tilespmem:v43+s17+$0x0] =	vst.idx.msk $0xffff, v3  }
0x79: {  	v45 =	vor.u32 $0x19, v1;
	v3 =	vld.idx.msk [tilespmem:v44+s10+$0x0], $0xffff  }
0x7a: {  	v46 =	vor.u32 $0x1A, v2;
	_ =	sdelay $0x3  }
0x7b: {  	[tilespmem:v45+s17+$0x0] =	vst.idx.msk $0xffff, v3  }
0x7c: {  	v47 =	vor.u32 $0x1A, v1;
	v3 =	vld.idx.msk [tilespmem:v46+s10+$0x0], $0xffff  }
0x7d: {  	v48 =	vor.u32 $0x1B, v2;
	_ =	sdelay $0x3  }
0x7e: {  	[tilespmem:v47+s17+$0x0] =	vst.idx.msk $0xffff, v3  }
0x7f: {  	v49 =	vor.u32 $0x1B, v1;
	v3 =	vld.idx.msk [tilespmem:v48+s10+$0x0], $0xffff  }
0x80: {  	v50 =	vor.u32 $0x1C, v2;
	_ =	sdelay $0x3  }
0x81: {  	[tilespmem:v49+s17+$0x0] =	vst.idx.msk $0xffff, v3  }
0x82: {  	v51 =	vor.u32 $0x1C, v1;
	v3 =	vld.idx.msk [tilespmem:v50+s10+$0x0], $0xffff  }
0x83: {  	v52 =	vor.u32 $0x1D, v2;
	_ =	sdelay $0x3  }
0x84: {  	[tilespmem:v51+s17+$0x0] =	vst.idx.msk $0xffff, v3  }
0x85: {  	v53 =	vor.u32 $0x1D, v1;
	v3 =	vld.idx.msk [tilespmem:v52+s10+$0x0], $0xffff  }
0x86: {  	v54 =	vor.u32 $0x1E, v2;
	_ =	sdelay $0x3  }
0x87: {  	[tilespmem:v53+s17+$0x0] =	vst.idx.msk $0xffff, v3  }
0x88: {  	v55 =	vor.u32 $0x1E, v1;
	v3 =	vld.idx.msk [tilespmem:v54+s10+$0x0], $0xffff  }
0x89: {  	v56 =	vor.u32 $0x1F, v2;
	_ =	sdelay $0x3  }
0x8a: {  	[tilespmem:v55+s17+$0x0] =	vst.idx.msk $0xffff, v3  }
0x8b: {  	v57 =	vor.u32 $0x1F, v1;
	v3 =	vld.idx.msk [tilespmem:v56+s10+$0x0], $0xffff  }
0x8c: {  	v58 =	vor.u32 $0x20, v2;
	_ =	sdelay $0x3  }
0x8d: {  	[tilespmem:v57+s17+$0x0] =	vst.idx.msk $0xffff, v3  }
0x8e: {  	v59 =	vor.u32 $0x20, v1;
	v3 =	vld.idx.msk [tilespmem:v58+s10+$0x0], $0xffff  }
0x8f: {  	v60 =	vor.u32 $0x21, v2;
	_ =	sdelay $0x3  }
0x90: {  	[tilespmem:v59+s17+$0x0] =	vst.idx.msk $0xffff, v3  }
0x91: {  	v61 =	vor.u32 $0x21, v1;
	v3 =	vld.idx.msk [tilespmem:v60+s10+$0x0], $0xffff  }
0x92: {  	v62 =	vor.u32 $0x22, v2;
	_ =	sdelay $0x3  }
0x93: {  	[tilespmem:v61+s17+$0x0] =	vst.idx.msk $0xffff, v3  }
0x94: {  	v63 =	vor.u32 $0x22, v1;
	v3 =	vld.idx.msk [tilespmem:v62+s10+$0x0], $0xffff  }
0x95: {  	v8 =	vor.u32 $0x23, v2;
	_ =	sdelay $0x3  }
0x96: {  	[tilespmem:v63+s17+$0x0] =	vst.idx.msk $0xffff, v3  }
0x97: {  	v9 =	vor.u32 $0x23, v1;
	v3 =	vld.idx.msk [tilespmem:v8+s10+$0x0], $0xffff  }
0x98: {  	v10 =	vor.u32 $0x24, v2;
	_ =	sdelay $0x3  }
0x99: {  	[tilespmem:v9+s17+$0x0] =	vst.idx.msk $0xffff, v3  }
0x9a: {  	v11 =	vor.u32 $0x24, v1;
	v3 =	vld.idx.msk [tilespmem:v10+s10+$0x0], $0xffff  }
0x9b: {  	v12 =	vor.u32 $0x25, v2;
	_ =	sdelay $0x3  }
0x9c: {  	[tilespmem:v11+s17+$0x0] =	vst.idx.msk $0xffff, v3  }
0x9d: {  	v13 =	vor.u32 $0x25, v1;
	v3 =	vld.idx.msk [tilespmem:v12+s10+$0x0], $0xffff  }
0x9e: {  	v14 =	vor.u32 $0x26, v2;
	_ =	sdelay $0x3  }
0x9f: {  	[tilespmem:v13+s17+$0x0] =	vst.idx.msk $0xffff, v3  }
0xa0: {  	v15 =	vor.u32 $0x26, v1;
	v3 =	vld.idx.msk [tilespmem:v14+s10+$0x0], $0xffff  }
0xa1: {  	v16 =	vor.u32 $0x27, v2;
	_ =	sdelay $0x3  }
0xa2: {  	[tilespmem:v15+s17+$0x0] =	vst.idx.msk $0xffff, v3  }
0xa3: {  	v17 =	vor.u32 $0x27, v1;
	v3 =	vld.idx.msk [tilespmem:v16+s10+$0x0], $0xffff  }
0xa4: {  	v18 =	vor.u32 $0x28, v2;
	_ =	sdelay $0x3  }
0xa5: {  	[tilespmem:v17+s17+$0x0] =	vst.idx.msk $0xffff, v3  }
0xa6: {  	v19 =	vor.u32 $0x28, v1;
	v3 =	vld.idx.msk [tilespmem:v18+s10+$0x0], $0xffff  }
0xa7: {  	v20 =	vor.u32 $0x29, v2;
	_ =	sdelay $0x3  }
0xa8: {  	[tilespmem:v19+s17+$0x0] =	vst.idx.msk $0xffff, v3  }
0xa9: {  	v21 =	vor.u32 $0x29, v1;
	v3 =	vld.idx.msk [tilespmem:v20+s10+$0x0], $0xffff  }
0xaa: {  	v22 =	vor.u32 $0x2A, v2;
	_ =	sdelay $0x3  }
0xab: {  	[tilespmem:v21+s17+$0x0] =	vst.idx.msk $0xffff, v3  }
0xac: {  	v23 =	vor.u32 $0x2A, v1;
	v3 =	vld.idx.msk [tilespmem:v22+s10+$0x0], $0xffff  }
0xad: {  	v24 =	vor.u32 $0x2B, v2;
	_ =	sdelay $0x3  }
0xae: {  	[tilespmem:v23+s17+$0x0] =	vst.idx.msk $0xffff, v3  }
0xaf: {  	v25 =	vor.u32 $0x2B, v1;
	v3 =	vld.idx.msk [tilespmem:v24+s10+$0x0], $0xffff  }
0xb0: {  	v26 =	vor.u32 $0x2C, v2;
	_ =	sdelay $0x3  }
0xb1: {  	[tilespmem:v25+s17+$0x0] =	vst.idx.msk $0xffff, v3  }
0xb2: {  	v27 =	vor.u32 $0x2C, v1;
	v3 =	vld.idx.msk [tilespmem:v26+s10+$0x0], $0xffff  }
0xb3: {  	v28 =	vor.u32 $0x2D, v2;
	_ =	sdelay $0x3  }
0xb4: {  	[tilespmem:v27+s17+$0x0] =	vst.idx.msk $0xffff, v3  }
0xb5: {  	v29 =	vor.u32 $0x2D, v1;
	v3 =	vld.idx.msk [tilespmem:v28+s10+$0x0], $0xffff  }
0xb6: {  	v30 =	vor.u32 $0x2E, v2;
	_ =	sdelay $0x3  }
0xb7: {  	[tilespmem:v29+s17+$0x0] =	vst.idx.msk $0xffff, v3  }
0xb8: {  	v31 =	vor.u32 $0x2E, v1;
	v3 =	vld.idx.msk [tilespmem:v30+s10+$0x0], $0xffff  }
0xb9: {  	v32 =	vor.u32 $0x2F, v2;
	_ =	sdelay $0x3  }
0xba: {  	[tilespmem:v31+s17+$0x0] =	vst.idx.msk $0xffff, v3  }
0xbb: {  	v33 =	vor.u32 $0x2F, v1;
	v3 =	vld.idx.msk [tilespmem:v32+s10+$0x0], $0xffff  }
0xbc: {  	v34 =	vor.u32 $0x30, v2;
	_ =	sdelay $0x3  }
0xbd: {  	[tilespmem:v33+s17+$0x0] =	vst.idx.msk $0xffff, v3  }
0xbe: {  	v35 =	vor.u32 $0x30, v1;
	v3 =	vld.idx.msk [tilespmem:v34+s10+$0x0], $0xffff  }
0xbf: {  	v36 =	vor.u32 $0x31, v2;
	_ =	sdelay $0x3  }
0xc0: {  	[tilespmem:v35+s17+$0x0] =	vst.idx.msk $0xffff, v3  }
0xc1: {  	v37 =	vor.u32 $0x31, v1;
	v3 =	vld.idx.msk [tilespmem:v36+s10+$0x0], $0xffff  }
0xc2: {  	v38 =	vor.u32 $0x32, v2;
	_ =	sdelay $0x3  }
0xc3: {  	[tilespmem:v37+s17+$0x0] =	vst.idx.msk $0xffff, v3  }
0xc4: {  	v39 =	vor.u32 $0x32, v1;
	v3 =	vld.idx.msk [tilespmem:v38+s10+$0x0], $0xffff  }
0xc5: {  	v40 =	vor.u32 $0x33, v2;
	_ =	sdelay $0x3  }
0xc6: {  	[tilespmem:v39+s17+$0x0] =	vst.idx.msk $0xffff, v3  }
0xc7: {  	v41 =	vor.u32 $0x33, v1;
	v3 =	vld.idx.msk [tilespmem:v40+s10+$0x0], $0xffff  }
0xc8: {  	v42 =	vor.u32 $0x34, v2;
	_ =	sdelay $0x3  }
0xc9: {  	[tilespmem:v41+s17+$0x0] =	vst.idx.msk $0xffff, v3  }
0xca: {  	v43 =	vor.u32 $0x34, v1;
	v3 =	vld.idx.msk [tilespmem:v42+s10+$0x0], $0xffff  }
0xcb: {  	v44 =	vor.u32 $0x35, v2;
	_ =	sdelay $0x3  }
0xcc: {  	[tilespmem:v43+s17+$0x0] =	vst.idx.msk $0xffff, v3  }
0xcd: {  	v45 =	vor.u32 $0x35, v1;
	v3 =	vld.idx.msk [tilespmem:v44+s10+$0x0], $0xffff  }
0xce: {  	v46 =	vor.u32 $0x36, v2;
	_ =	sdelay $0x3  }
0xcf: {  	[tilespmem:v45+s17+$0x0] =	vst.idx.msk $0xffff, v3  }
0xd0: {  	v47 =	vor.u32 $0x36, v1;
	v3 =	vld.idx.msk [tilespmem:v46+s10+$0x0], $0xffff  }
0xd1: {  	v48 =	vor.u32 $0x37, v2;
	_ =	sdelay $0x3  }
0xd2: {  	[tilespmem:v47+s17+$0x0] =	vst.idx.msk $0xffff, v3  }
0xd3: {  	v49 =	vor.u32 $0x37, v1;
	v3 =	vld.idx.msk [tilespmem:v48+s10+$0x0], $0xffff  }
0xd4: {  	v50 =	vor.u32 $0x38, v2;
	_ =	sdelay $0x3  }
0xd5: {  	[tilespmem:v49+s17+$0x0] =	vst.idx.msk $0xffff, v3  }
0xd6: {  	v51 =	vor.u32 $0x38, v1;
	v3 =	vld.idx.msk [tilespmem:v50+s10+$0x0], $0xffff  }
0xd7: {  	v52 =	vor.u32 $0x39, v2;
	_ =	sdelay $0x3  }
0xd8: {  	[tilespmem:v51+s17+$0x0] =	vst.idx.msk $0xffff, v3  }
0xd9: {  	v53 =	vor.u32 $0x39, v1;
	v3 =	vld.idx.msk [tilespmem:v52+s10+$0x0], $0xffff  }
0xda: {  	v54 =	vor.u32 $0x3A, v2;
	_ =	sdelay $0x3  }
0xdb: {  	[tilespmem:v53+s17+$0x0] =	vst.idx.msk $0xffff, v3  }
0xdc: {  	v55 =	vor.u32 $0x3A, v1;
	v3 =	vld.idx.msk [tilespmem:v54+s10+$0x0], $0xffff  }
0xdd: {  	v56 =	vor.u32 $0x3B, v2;
	_ =	sdelay $0x3  }
0xde: {  	[tilespmem:v55+s17+$0x0] =	vst.idx.msk $0xffff, v3  }
0xdf: {  	v57 =	vor.u32 $0x3B, v1;
	v3 =	vld.idx.msk [tilespmem:v56+s10+$0x0], $0xffff  }
0xe0: {  	v58 =	vor.u32 $0x3C, v2;
	_ =	sdelay $0x3  }
0xe1: {  	[tilespmem:v57+s17+$0x0] =	vst.idx.msk $0xffff, v3  }
0xe2: {  	v59 =	vor.u32 $0x3C, v1;
	v3 =	vld.idx.msk [tilespmem:v58+s10+$0x0], $0xffff  }
0xe3: {  	v60 =	vor.u32 $0x3D, v2;
	_ =	sdelay $0x3  }
0xe4: {  	[tilespmem:v59+s17+$0x0] =	vst.idx.msk $0xffff, v3  }
0xe5: {  	v61 =	vor.u32 $0x3D, v1;
	v3 =	vld.idx.msk [tilespmem:v60+s10+$0x0], $0xffff  }
0xe6: {  	v62 =	vor.u32 $0x3E, v2;
	_ =	sdelay $0x3  }
0xe7: {  	[tilespmem:v61+s17+$0x0] =	vst.idx.msk $0xffff, v3  }
0xe8: {  	v63 =	vor.u32 $0x3E, v1;
	v3 =	vld.idx.msk [tilespmem:v62+s10+$0x0], $0xffff  }
0xe9: {  	v2 =	vor.u32 $0x3F, v2;
	_ =	sdelay $0x3  }
0xea: {  	[tilespmem:v63+s17+$0x0] =	vst.idx.msk $0xffff, v3  }
0xeb: {  	p0 =	sne.s32 s20, $0x1F0;
	v1 =	vor.u32 $0x3F, v1;
	v2 =	vld.idx.msk [tilespmem:v2+s10+$0x0], $0xffff  }
.Ltmp0:
0xec: {  	_ = 	snop;
	(pc) =	sbr.rel @p0 .LBB2_2-.Ltmp0, $2  }
0xed: {  	_ =	sdelay $0x2  }
0xee: {  	s19 =	sadd.s32 $0x10, s19;
	s20 =	sadd.s32 $0x10, s20;
	[tilespmem:v1+s17+$0x0] =	vst.idx.msk $0xffff, v2  }
0xef: {  	s18 =	sadd.s32 $0x1, s18  }
0xf0: {  	p0 =	sne.s32 s18, s7  }
.Ltmp1:
0xf1: {  	_ = 	snop;
	(pc) =	sbr.rel @p0 .LBB2_1-.Ltmp1, $4  }
0xf2: {  	[hbm4b:s6+s2] =	stream.linear.scatter [tilespmem:s17], [sflag:$0x2], $0x8000, $0x38;
	[tilespmem:$0x18400] =	vst v63  }
0xf3: {  	_ =	swait.ge [sflag:s8], $0x8000  }
0xf4: {  	[sflag:s8] =	ssyncset.done $0x0  }
0xf5: {  	[sflag:s8] =	ssyncadd.s32 $0xFFFF8000  }
0xf6: {  	_ =	sfence.sel $0x180000  }
0xf7: {  	[bflag:$0x0] =	sbarrier.arrive $0xFFFF  }
0xf8: {  	p0 =	sne.s32 s1, $0x0;
	_ =	strace $0x90000047  }
0xf9: {  	s0 =	sadd.s32 @!p0 $0x100000, s0;
	[bflag:$0x2] =	sbarrier.arrive $0xFFFF  }
0xfa: {  	[sflag:s0] =	ssyncadd.tile.s32 @!p0 $0x1;
	_ =	shalt  }
.Lfunc_end2:
_tile_overlayer_lowered:
.L_overlay_start_2:
0xfb: {  	(tag) =	ssettag $0x2  }
0xfc: {  	s0 =	rddreg [dreg:$0x0];
	s2 =	stileid.u32  }
0xfd: {  	s1 =	rddreg [dreg:$0x1];
	p0 =	sne.s32 s2, $0x0  }
0xfe: {  	s3 =	rddreg [dreg:$0x2];
	[bflag:$0x3] =	sbarrier.arrive $0xFFFF;
	s2 =	simm.s32 @!p0 $0x1C02  }
0xff: {  	[timem:s3], [sflag:s2] =	dma.local @!p0 [hbm:s0], s1  }
0x100: {  	s0 =	simm.s32 @!p0 $0x2  }
0x101: {  	_ =	swait.ge @!p0 [sflag:s0], s1  }
0x102: {  	s1 =	ssub.s32 @!p0 $0x0, s1;
	[sflag:s0] =	ssyncset.done @!p0 $0x0  }
0x103: {  	[sflag:s0] =	ssyncadd.s32 @!p0 s1  }
0x104: {  	[bflag:$0x3] =	sbarrier.arrive $0xFFFF  }
0x105: {  	_ =	shalt  }

</sc_bundles>
